<compile_context>
chip_gen: v7x
topology: tpu7x:2x2x1
jax: 0.10.2.dev20260603
libtpu: 0.0.44.dev20260713+nightly
codegen_flags: <defaults>
</compile_context>

<pallas_src>
import functools

import jax
import jax.numpy as jnp
from jax import lax
from jax.experimental import pallas as pl
from jax.experimental.pallas import tpu as pltpu
from jax.experimental.pallas import tpu_sc as plsc

N_ATOMS = 100000
DIM = 128
LANES = 16
CHUNK = 128
GROUPS = CHUNK // LANES
CWORDS = CHUNK * DIM
NBUF = 4
NW = 32
TWORDS = 101 * DIM
HEAVY = 13
ROWS_HEAVY = 25 * CHUNK
ROWS_LIGHT = 24 * CHUNK
TAIL_BASE = HEAVY * ROWS_HEAVY + (NW - HEAVY) * ROWS_LIGHT
TAIL = N_ATOMS - TAIL_BASE


def _sc_gather(atomic_numbers, table_flat):
    mesh = plsc.VectorSubcoreMesh(core_axis_name="c", subcore_axis_name="s")

    @functools.partial(
        pl.kernel,
        mesh=mesh,
        out_type=jax.ShapeDtypeStruct((N_ATOMS * DIM,), jnp.float32),
        scratch_types=[
            pltpu.VMEM((TWORDS,), jnp.float32),
            pltpu.VMEM((ROWS_HEAVY,), jnp.int32),
            pltpu.VMEM((TAIL,), jnp.int32),
            pltpu.VMEM((NBUF * CWORDS,), jnp.float32),
            pltpu.SemaphoreType.DMA((NBUF,)),
        ],
        compiler_params=pltpu.CompilerParams(needs_layout_passes=False),
    )
    def k(idx_hbm, table_hbm, out_hbm, table_v, idx_v, tail_v, rows_f, wsem):
        nc = 2
        wid = lax.axis_index("s") * nc + lax.axis_index("c")
        heavy = wid < HEAVY
        base = jnp.where(
            heavy,
            wid * ROWS_HEAVY,
            HEAVY * ROWS_HEAVY + (wid - HEAVY) * ROWS_LIGHT,
        )
        nch = jnp.where(heavy, 25, 24)

        tcp = pltpu.make_async_copy(table_hbm, table_v, wsem.at[0])
        icp = pltpu.make_async_copy(idx_hbm.at[pl.ds(base, ROWS_LIGHT)],
                                    idx_v.at[pl.ds(0, ROWS_LIGHT)],
                                    wsem.at[1])
        tcp.start()
        icp.start()

        @pl.when(heavy)
        def _():
            pltpu.sync_copy(idx_hbm.at[pl.ds(base + ROWS_LIGHT, CHUNK)],
                            idx_v.at[pl.ds(ROWS_LIGHT, CHUNK)])

        tcp.wait()
        icp.wait()

        lanes = lax.iota(jnp.int32, LANES)

        def write_start(j, p):
            pltpu.make_async_copy(
                rows_f.at[pl.ds(p * CWORDS, CWORDS)],
                out_hbm.at[pl.ds((base + j * CHUNK) * DIM, CWORDS)],
                wsem.at[p]).start()

        def write_wait(p):
            pltpu.make_async_copy(
                rows_f.at[pl.ds(p * CWORDS, CWORDS)],
                out_hbm.at[pl.ds(base * DIM, CWORDS)],
                wsem.at[p]).wait()

        def fill_group(idxv, dest0):
            basev = idxv * DIM
            destv = dest0 + lanes * DIM
            bv = basev + lanes
            dv = destv + lanes

            @plsc.parallel_loop(0, DIM - LANES, unroll=16)
            def _(c):
                vals = plsc.load_gather(table_v, [bv + c])
                plsc.store_scatter(rows_f, [dv + c], vals)

            @plsc.parallel_loop(DIM - LANES, DIM, unroll=16)
            def _(c):
                cv = (lanes + c) & (DIM - 1)
                vals = plsc.load_gather(table_v, [basev + cv])
                plsc.store_scatter(rows_f, [destv + cv], vals)

        def chunk_body(j, _):
            p = j & (NBUF - 1)

            @pl.when(j >= NBUF)
            def _():
                write_wait(p)

            @plsc.parallel_loop(0, GROUPS)
            def _(g):
                idxv = idx_v[pl.ds(j * CHUNK + g * LANES, LANES)]
                fill_group(idxv, p * CWORDS + g * LANES * DIM)
            write_start(j, p)
            return 0

        lax.fori_loop(0, nch, chunk_body, 0)
        write_wait(0)
        write_wait(1)
        write_wait(2)
        write_wait(3)

        @pl.when(wid == NW - 1)
        def _():
            pltpu.sync_copy(idx_hbm.at[pl.ds(TAIL_BASE, TAIL)], tail_v)
            fill_group(tail_v[pl.ds(0, LANES)], 0)
            fill_group(tail_v[pl.ds(LANES, LANES)], LANES * DIM)
            pltpu.sync_copy(rows_f.at[pl.ds(0, TAIL * DIM)],
                            out_hbm.at[pl.ds(TAIL_BASE * DIM, TAIL * DIM)])

    return k(atomic_numbers, table_flat)


def kernel(atomic_numbers, table):
    table_flat = jnp.concatenate([table[:1], table], axis=0).reshape(-1)
    out_flat = _sc_gather(atomic_numbers, table_flat)
    return out_flat.reshape(N_ATOMS, DIM)

# --- scband reference (transcript-rebuilt; emitter-appended) ---
"""Pipeline reference for scband-atom-embedding-7275674599773 (READ-ONLY COPY).

The authoritative reference and input builder live on the scoring server;
editing this copy changes nothing except your own understanding.
"""

import jax, jax.numpy as jnp
import numpy as np

NUM_ELEMENTS = 100
EMBEDDING_DIM = 128
N_ATOMS = 100000


def setup_inputs(seed: int = 0) -> dict:
    key = jax.random.key(seed)
    k1, k2 = jax.random.split(key)
    # atomic numbers are 1-indexed (1..99), forward subtracts 1 before lookup
    atomic_numbers = jax.random.randint(k1, (N_ATOMS,), 1, NUM_ELEMENTS, dtype=jnp.int32)
    # learned embedding table (nn.Embedding weight), normal init like torch default
    table = jax.random.normal(k2, (NUM_ELEMENTS, EMBEDDING_DIM), dtype=jnp.float32)
    return {"atomic_numbers": atomic_numbers, "table": table}


def reference(atomic_numbers, table):
    # scheme == 'cgcnn' (or 'random'): self.embedding(atomic_numbers - 1)
    return jnp.take(table, atomic_numbers - 1, axis=0)

if __name__ == "__main__":
    import jax
    _d = setup_inputs()
    print(jax.jit(kernel)(*tuple(_d.values())))

</pallas_src>

<mosaic_0001>
#map = affine_map<(d0, d1) -> (0)>
module attributes {stable_mosaic.version = 14 : i64} {
  func.func @k(%arg0: i32, %arg1: i32, %arg2: memref<100000xi32, #tpu.memory_space<hbm>>, %arg3: memref<12928xf32, #tpu.memory_space<hbm>>, %arg4: memref<12800000xf32, #tpu.memory_space<hbm>>, %arg5: memref<12928xf32, #tpu.memory_space<vmem>>, %arg6: memref<3200xi32, #tpu.memory_space<vmem>>, %arg7: memref<32xi32, #tpu.memory_space<vmem>>, %arg8: memref<65536xf32, #tpu.memory_space<vmem>>, %arg9: memref<4x!tpu.dma_semaphore, #tpu.memory_space<semaphore_mem>>) attributes {dimension_semantics = [#tpu.dimension_semantics<core_parallel>, #tpu.dimension_semantics<subcore_parallel>], iteration_bounds = array<i64: 2, 16>, scalar_prefetch = 0 : i64, scratch_operands = 5 : i64, tpu.core_type = #tpu.core_type<sc_vector_subcore>, window_params = [{transform_indices = #map}, {transform_indices = #map}, {transform_indices = #map}]} {
    %mul3A = arith.constant 2 : i32
    %mul3A_0 = arith.muli %arg1, %mul3A : i32
    %add3A = arith.addi %mul3A_0, %arg0 : i32
    %lt3A = arith.constant 13 : i32
    %lt3A_1 = arith.cmpi slt, %add3A, %lt3A : i32
    %mul3A_2 = arith.constant 3200 : i32
    %mul3A_3 = arith.muli %add3A, %mul3A_2 : i32
    %sub3A = arith.constant 13 : i32
    %sub3A_4 = arith.subi %add3A, %sub3A : i32
    %mul3A_5 = arith.constant 3072 : i32
    %mul3A_6 = arith.muli %sub3A_4, %mul3A_5 : i32
    %add3A_7 = arith.constant 41600 : i32
    %add3A_8 = arith.addi %add3A_7, %mul3A_6 : i32
    %select_n3A = arith.select %lt3A_1, %mul3A_3, %add3A_8 : i32
    %jit3A = arith.constant 25 : i32
    %jit3A_9 = arith.constant 24 : i32
    %select_n3A_10 = arith.select %lt3A_1, %jit3A, %jit3A_9 : i32
    %dma_start3A = arith.constant 0 : i32
    %dma_start3A_11 = tpu.memref_slice %arg9[%dma_start3A] : memref<4x!tpu.dma_semaphore, #tpu.memory_space<semaphore_mem>> -> memref<1x!tpu.dma_semaphore, #tpu.memory_space<semaphore_mem>>
    %dma_start3A_12 = tpu.memref_squeeze %dma_start3A_11 : memref<1x!tpu.dma_semaphore, #tpu.memory_space<semaphore_mem>> -> memref<!tpu.dma_semaphore, #tpu.memory_space<semaphore_mem>>
    tpu.enqueue_dma source(%arg3 : memref<12928xf32, #tpu.memory_space<hbm>>) target(%arg5 : memref<12928xf32, #tpu.memory_space<vmem>>) target_semaphore(%dma_start3A_12 : memref<!tpu.dma_semaphore, #tpu.memory_space<semaphore_mem>>)
    %dma_start3A_13 = arith.constant 1 : i32
    %dma_start3A_14 = arith.constant 0 : i32
    %dma_start3A_15 = tpu.memref_slice %arg6[%dma_start3A_14] : memref<3200xi32, #tpu.memory_space<vmem>> -> memref<3072xi32, #tpu.memory_space<vmem>>
    %dma_start3A_16 = tpu.memref_slice %arg2[%select_n3A] : memref<100000xi32, #tpu.memory_space<hbm>> -> memref<3072xi32, #tpu.memory_space<hbm>>
    %dma_start3A_17 = tpu.memref_slice %arg9[%dma_start3A_13] : memref<4x!tpu.dma_semaphore, #tpu.memory_space<semaphore_mem>> -> memref<1x!tpu.dma_semaphore, #tpu.memory_space<semaphore_mem>>
    %dma_start3A_18 = tpu.memref_squeeze %dma_start3A_17 : memref<1x!tpu.dma_semaphore, #tpu.memory_space<semaphore_mem>> -> memref<!tpu.dma_semaphore, #tpu.memory_space<semaphore_mem>>
    %dma_start3A_19 = arith.constant 0 : i32
    %dma_start3A_20 = tpu.memref_slice %arg6[%dma_start3A_19] : memref<3200xi32, #tpu.memory_space<vmem>> -> memref<3072xi32, #tpu.memory_space<vmem>>
    %dma_start3A_21 = tpu.memref_slice %arg2[%select_n3A] : memref<100000xi32, #tpu.memory_space<hbm>> -> memref<3072xi32, #tpu.memory_space<hbm>>
    tpu.enqueue_dma source(%dma_start3A_21 : memref<3072xi32, #tpu.memory_space<hbm>>) target(%dma_start3A_20 : memref<3072xi32, #tpu.memory_space<vmem>>) target_semaphore(%dma_start3A_18 : memref<!tpu.dma_semaphore, #tpu.memory_space<semaphore_mem>>)
    %convert_element_type3A = arith.extui %lt3A_1 : i1 to i32
    %cond3A = arith.constant 0 : i32
    %cond3A_22 = arith.cmpi ne, %convert_element_type3A, %cond3A : i32
    scf.if %cond3A_22 {
      %add3A_93 = arith.constant 3072 : i32
      %add3A_94 = arith.addi %select_n3A, %add3A_93 : i32
      "tpu.region"() ({
        %run_scoped3A = tpu.sem_alloc : memref<!tpu.dma_semaphore, #tpu.memory_space<semaphore_mem>>
        %dma_start3A_95 = arith.constant 3072 : i32
        %dma_start3A_96 = tpu.memref_slice %arg6[%dma_start3A_95] : memref<3200xi32, #tpu.memory_space<vmem>> -> memref<128xi32, #tpu.memory_space<vmem>>
        %dma_start3A_97 = tpu.memref_slice %arg2[%add3A_94] : memref<100000xi32, #tpu.memory_space<hbm>> -> memref<128xi32, #tpu.memory_space<hbm>>
        %dma_start3A_98 = arith.constant 3072 : i32
        %dma_start3A_99 = tpu.memref_slice %arg6[%dma_start3A_98] : memref<3200xi32, #tpu.memory_space<vmem>> -> memref<128xi32, #tpu.memory_space<vmem>>
        %dma_start3A_100 = tpu.memref_slice %arg2[%add3A_94] : memref<100000xi32, #tpu.memory_space<hbm>> -> memref<128xi32, #tpu.memory_space<hbm>>
        tpu.enqueue_dma source(%dma_start3A_100 : memref<128xi32, #tpu.memory_space<hbm>>) target(%dma_start3A_99 : memref<128xi32, #tpu.memory_space<vmem>>) target_semaphore(%run_scoped3A : memref<!tpu.dma_semaphore, #tpu.memory_space<semaphore_mem>>)
        %dma_wait3A_101 = arith.constant 3072 : i32
        %dma_wait3A_102 = tpu.memref_slice %arg6[%dma_wait3A_101] : memref<3200xi32, #tpu.memory_space<vmem>> -> memref<128xi32, #tpu.memory_space<vmem>>
        %dma_wait3A_103 = tpu.memref_slice %arg2[%add3A_94] : memref<100000xi32, #tpu.memory_space<hbm>> -> memref<128xi32, #tpu.memory_space<hbm>>
        %dma_wait3A_104 = arith.constant 3072 : i32
        %dma_wait3A_105 = tpu.memref_slice %arg6[%dma_wait3A_104] : memref<3200xi32, #tpu.memory_space<vmem>> -> memref<128xi32, #tpu.memory_space<vmem>>
        %dma_wait3A_106 = tpu.memref_slice %arg2[%add3A_94] : memref<100000xi32, #tpu.memory_space<hbm>> -> memref<128xi32, #tpu.memory_space<hbm>>
        tpu.wait_dma2 semaphore(%run_scoped3A : memref<!tpu.dma_semaphore, #tpu.memory_space<semaphore_mem>>) src(%dma_wait3A_106 : memref<128xi32, #tpu.memory_space<hbm>>) dst(%dma_wait3A_105 : memref<128xi32, #tpu.memory_space<vmem>>)
        tpu.yield
      }) : () -> ()
    } else {
    }
    %dma_wait3A = arith.constant 0 : i32
    %dma_wait3A_23 = tpu.memref_slice %arg9[%dma_wait3A] : memref<4x!tpu.dma_semaphore, #tpu.memory_space<semaphore_mem>> -> memref<1x!tpu.dma_semaphore, #tpu.memory_space<semaphore_mem>>
    %dma_wait3A_24 = tpu.memref_squeeze %dma_wait3A_23 : memref<1x!tpu.dma_semaphore, #tpu.memory_space<semaphore_mem>> -> memref<!tpu.dma_semaphore, #tpu.memory_space<semaphore_mem>>
    tpu.wait_dma2 semaphore(%dma_wait3A_24 : memref<!tpu.dma_semaphore, #tpu.memory_space<semaphore_mem>>) src(%arg3 : memref<12928xf32, #tpu.memory_space<hbm>>) dst(%arg5 : memref<12928xf32, #tpu.memory_space<vmem>>)
    %dma_wait3A_25 = arith.constant 1 : i32
    %dma_wait3A_26 = arith.constant 0 : i32
    %dma_wait3A_27 = tpu.memref_slice %arg6[%dma_wait3A_26] : memref<3200xi32, #tpu.memory_space<vmem>> -> memref<3072xi32, #tpu.memory_space<vmem>>
    %dma_wait3A_28 = tpu.memref_slice %arg2[%select_n3A] : memref<100000xi32, #tpu.memory_space<hbm>> -> memref<3072xi32, #tpu.memory_space<hbm>>
    %dma_wait3A_29 = tpu.memref_slice %arg9[%dma_wait3A_25] : memref<4x!tpu.dma_semaphore, #tpu.memory_space<semaphore_mem>> -> memref<1x!tpu.dma_semaphore, #tpu.memory_space<semaphore_mem>>
    %dma_wait3A_30 = tpu.memref_squeeze %dma_wait3A_29 : memref<1x!tpu.dma_semaphore, #tpu.memory_space<semaphore_mem>> -> memref<!tpu.dma_semaphore, #tpu.memory_space<semaphore_mem>>
    %dma_wait3A_31 = arith.constant 0 : i32
    %dma_wait3A_32 = tpu.memref_slice %arg6[%dma_wait3A_31] : memref<3200xi32, #tpu.memory_space<vmem>> -> memref<3072xi32, #tpu.memory_space<vmem>>
    %dma_wait3A_33 = tpu.memref_slice %arg2[%select_n3A] : memref<100000xi32, #tpu.memory_space<hbm>> -> memref<3072xi32, #tpu.memory_space<hbm>>
    tpu.wait_dma2 semaphore(%dma_wait3A_30 : memref<!tpu.dma_semaphore, #tpu.memory_space<semaphore_mem>>) src(%dma_wait3A_33 : memref<3072xi32, #tpu.memory_space<hbm>>) dst(%dma_wait3A_32 : memref<3072xi32, #tpu.memory_space<vmem>>)
    %iota3A = tpu.iota {dimensions = array<i32: 0>} : vector<16xi32>
    %while3A = arith.constant 0 : i32
    %while3A_34 = arith.constant 0 : i32
    %while3A_35 = arith.subi %select_n3A_10, %while3A : i32
    %while3A_36 = arith.addi %while3A, %while3A_35 : i32
    %while3A_37 = arith.constant 1 : i32
    %while3A_38 = arith.divsi %while3A_35, %while3A_37 : i32
    %while3A_39 = arith.muli %while3A_38, %while3A_37 : i32
    %while3A_40 = arith.addi %while3A, %while3A_39 : i32
    %while3A_41 = arith.constant 1 : i32
    %while3A_42 = scf.for %while3A_93 = %while3A to %while3A_40 step %while3A_41 iter_args(%while3A_94 = %while3A_34) -> (i32)  : i32 {
      %and3A = arith.constant 3 : i32
      %and3A_95 = arith.andi %while3A_93, %and3A : i32
      %ge3A = arith.constant 4 : i32
      %ge3A_96 = arith.cmpi sge, %while3A_93, %ge3A : i32
      %convert_element_type3A_97 = arith.extui %ge3A_96 : i1 to i32
      %cond3A_98 = arith.constant 0 : i32
      %cond3A_99 = arith.cmpi ne, %convert_element_type3A_97, %cond3A_98 : i32
      scf.if %cond3A_99 {
        %mul3A_116 = arith.constant 16384 : i32
        %mul3A_117 = arith.muli %and3A_95, %mul3A_116 : i32
        %mul3A_118 = arith.constant 128 : i32
        %mul3A_119 = arith.muli %select_n3A, %mul3A_118 : i32
        %dma_wait3A_120 = tpu.memref_slice %arg8[%mul3A_117] : memref<65536xf32, #tpu.memory_space<vmem>> -> memref<16384xf32, #tpu.memory_space<vmem>>
        %dma_wait3A_121 = tpu.memref_slice %arg4[%mul3A_119] : memref<12800000xf32, #tpu.memory_space<hbm>> -> memref<16384xf32, #tpu.memory_space<hbm>>
        %dma_wait3A_122 = tpu.memref_slice %arg9[%and3A_95] : memref<4x!tpu.dma_semaphore, #tpu.memory_space<semaphore_mem>> -> memref<1x!tpu.dma_semaphore, #tpu.memory_space<semaphore_mem>>
        %dma_wait3A_123 = tpu.memref_squeeze %dma_wait3A_122 : memref<1x!tpu.dma_semaphore, #tpu.memory_space<semaphore_mem>> -> memref<!tpu.dma_semaphore, #tpu.memory_space<semaphore_mem>>
        %dma_wait3A_124 = tpu.memref_slice %arg4[%mul3A_119] : memref<12800000xf32, #tpu.memory_space<hbm>> -> memref<16384xf32, #tpu.memory_space<hbm>>
        %dma_wait3A_125 = tpu.memref_slice %arg8[%mul3A_117] : memref<65536xf32, #tpu.memory_space<vmem>> -> memref<16384xf32, #tpu.memory_space<vmem>>
        tpu.wait_dma2 semaphore(%dma_wait3A_123 : memref<!tpu.dma_semaphore, #tpu.memory_space<semaphore_mem>>) src(%dma_wait3A_125 : memref<16384xf32, #tpu.memory_space<vmem>>) dst(%dma_wait3A_124 : memref<16384xf32, #tpu.memory_space<hbm>>)
      } else {
      }
      %parallel_loop3A = arith.constant 0 : i32
      %parallel_loop3A_100 = arith.constant 8 : i32
      %parallel_loop3A_101 = arith.constant 1 : i32
      scf.for %parallel_loop3A_116 = %parallel_loop3A to %parallel_loop3A_100 step %parallel_loop3A_101  : i32 {
        %parallel_loop3A_117 = arith.constant 128 : i32
        %parallel_loop3A_118 = arith.muli %while3A_93, %parallel_loop3A_117 : i32
        %parallel_loop3A_119 = arith.constant 16 : i32
        %parallel_loop3A_120 = arith.muli %parallel_loop3A_116, %parallel_loop3A_119 : i32
        %parallel_loop3A_121 = arith.addi %parallel_loop3A_118, %parallel_loop3A_120 : i32
        %parallel_loop3A_122 = arith.index_cast %parallel_loop3A_121 : i32 to index
        %parallel_loop3A_123 = tpu.vector_load %arg6[%parallel_loop3A_122] {strides = array<i32>} : memref<3200xi32, #tpu.memory_space<vmem>>, vector<16xi32>,
        %parallel_loop3A_124 = arith.constant 16384 : i32
        %parallel_loop3A_125 = arith.muli %and3A_95, %parallel_loop3A_124 : i32
        %parallel_loop3A_126 = arith.constant 16 : i32
        %parallel_loop3A_127 = arith.muli %parallel_loop3A_116, %parallel_loop3A_126 : i32
        %parallel_loop3A_128 = arith.constant 128 : i32
        %parallel_loop3A_129 = arith.muli %parallel_loop3A_127, %parallel_loop3A_128 : i32
        %parallel_loop3A_130 = arith.addi %parallel_loop3A_125, %parallel_loop3A_129 : i32
        %parallel_loop3A_131 = arith.constant 128 : i32
        %parallel_loop3A_132 = vector.broadcast %parallel_loop3A_131 : i32 to vector<16xi32>
        %parallel_loop3A_133 = arith.muli %parallel_loop3A_123, %parallel_loop3A_132 : vector<16xi32>
        %parallel_loop3A_134 = arith.constant 128 : i32
        %parallel_loop3A_135 = vector.broadcast %parallel_loop3A_134 : i32 to vector<16xi32>
        %parallel_loop3A_136 = arith.muli %iota3A, %parallel_loop3A_135 : vector<16xi32>
        %parallel_loop3A_137 = vector.broadcast %parallel_loop3A_130 : i32 to vector<16xi32>
        %parallel_loop3A_138 = arith.addi %parallel_loop3A_137, %parallel_loop3A_136 : vector<16xi32>
        %parallel_loop3A_139 = arith.addi %parallel_loop3A_133, %iota3A : vector<16xi32>
        %parallel_loop3A_140 = arith.addi %parallel_loop3A_138, %iota3A : vector<16xi32>
        %parallel_loop3A_141 = arith.constant 0 : i32
        %parallel_loop3A_142 = arith.constant 112 : i32
        %parallel_loop3A_143 = arith.constant 1 : i32
        scf.for %parallel_loop3A_147 = %parallel_loop3A_141 to %parallel_loop3A_142 step %parallel_loop3A_143  : i32 {
          %parallel_loop3A_148 = vector.broadcast %parallel_loop3A_147 : i32 to vector<16xi32>
          %parallel_loop3A_149 = arith.addi %parallel_loop3A_139, %parallel_loop3A_148 : vector<16xi32>
          %parallel_loop3A_150 = tpu.vector_load_idx %arg5[%parallel_loop3A_149] : memref<12928xf32, #tpu.memory_space<vmem>>[vector<16xi32>], vector<16xf32>,
          %parallel_loop3A_151 = vector.broadcast %parallel_loop3A_147 : i32 to vector<16xi32>
          %parallel_loop3A_152 = arith.addi %parallel_loop3A_140, %parallel_loop3A_151 : vector<16xi32>
          tpu.vector_store_idx %arg8[%parallel_loop3A_152], %parallel_loop3A_150 : memref<65536xf32, #tpu.memory_space<vmem>>[vector<16xi32>], vector<16xf32>,
        } {sc.loop_unroll_factor = 16 : i64, sc.parallel_access}
        %parallel_loop3A_144 = arith.constant 112 : i32
        %parallel_loop3A_145 = arith.constant 128 : i32
        %parallel_loop3A_146 = arith.constant 1 : i32
        scf.for %parallel_loop3A_147 = %parallel_loop3A_144 to %parallel_loop3A_145 step %parallel_loop3A_146  : i32 {
          %parallel_loop3A_148 = vector.broadcast %parallel_loop3A_147 : i32 to vector<16xi32>
          %parallel_loop3A_149 = arith.addi %iota3A, %parallel_loop3A_148 : vector<16xi32>
          %parallel_loop3A_150 = arith.constant 127 : i32
          %parallel_loop3A_151 = vector.broadcast %parallel_loop3A_150 : i32 to vector<16xi32>
          %parallel_loop3A_152 = arith.andi %parallel_loop3A_149, %parallel_loop3A_151 : vector<16xi32>
          %parallel_loop3A_153 = arith.addi %parallel_loop3A_133, %parallel_loop3A_152 : vector<16xi32>
          %parallel_loop3A_154 = tpu.vector_load_idx %arg5[%parallel_loop3A_153] : memref<12928xf32, #tpu.memory_space<vmem>>[vector<16xi32>], vector<16xf32>,
          %parallel_loop3A_155 = arith.addi %parallel_loop3A_138, %parallel_loop3A_152 : vector<16xi32>
          tpu.vector_store_idx %arg8[%parallel_loop3A_155], %parallel_loop3A_154 : memref<65536xf32, #tpu.memory_space<vmem>>[vector<16xi32>], vector<16xf32>,
        } {sc.loop_unroll_factor = 16 : i64, sc.parallel_access}
      } {sc.loop_unroll_factor = 1 : i64, sc.parallel_access}
      %mul3A_102 = arith.constant 16384 : i32
      %mul3A_103 = arith.muli %and3A_95, %mul3A_102 : i32
      %mul3A_104 = arith.constant 128 : i32
      %mul3A_105 = arith.muli %while3A_93, %mul3A_104 : i32
      %add3A_106 = arith.addi %select_n3A, %mul3A_105 : i32
      %mul3A_107 = arith.constant 128 : i32
      %mul3A_108 = arith.muli %add3A_106, %mul3A_107 : i32
      %dma_start3A_109 = tpu.memref_slice %arg8[%mul3A_103] : memref<65536xf32, #tpu.memory_space<vmem>> -> memref<16384xf32, #tpu.memory_space<vmem>>
      %dma_start3A_110 = tpu.memref_slice %arg4[%mul3A_108] : memref<12800000xf32, #tpu.memory_space<hbm>> -> memref<16384xf32, #tpu.memory_space<hbm>>
      %dma_start3A_111 = tpu.memref_slice %arg9[%and3A_95] : memref<4x!tpu.dma_semaphore, #tpu.memory_space<semaphore_mem>> -> memref<1x!tpu.dma_semaphore, #tpu.memory_space<semaphore_mem>>
      %dma_start3A_112 = tpu.memref_squeeze %dma_start3A_111 : memref<1x!tpu.dma_semaphore, #tpu.memory_space<semaphore_mem>> -> memref<!tpu.dma_semaphore, #tpu.memory_space<semaphore_mem>>
      %dma_start3A_113 = tpu.memref_slice %arg4[%mul3A_108] : memref<12800000xf32, #tpu.memory_space<hbm>> -> memref<16384xf32, #tpu.memory_space<hbm>>
      %dma_start3A_114 = tpu.memref_slice %arg8[%mul3A_103] : memref<65536xf32, #tpu.memory_space<vmem>> -> memref<16384xf32, #tpu.memory_space<vmem>>
      tpu.enqueue_dma source(%dma_start3A_114 : memref<16384xf32, #tpu.memory_space<vmem>>) target(%dma_start3A_113 : memref<16384xf32, #tpu.memory_space<hbm>>) target_semaphore(%dma_start3A_112 : memref<!tpu.dma_semaphore, #tpu.memory_space<semaphore_mem>>)
      %while3A_115 = arith.constant 0 : i32
      scf.yield %while3A_115 : i32
    }
    %while3A_43 = arith.constant 1 : i32
    %while3A_44 = scf.for %while3A_93 = %while3A_40 to %while3A_36 step %while3A_43 iter_args(%while3A_94 = %while3A_42) -> (i32)  : i32 {
      %and3A = arith.constant 3 : i32
      %and3A_95 = arith.andi %while3A_93, %and3A : i32
      %ge3A = arith.constant 4 : i32
      %ge3A_96 = arith.cmpi sge, %while3A_93, %ge3A : i32
      %convert_element_type3A_97 = arith.extui %ge3A_96 : i1 to i32
      %cond3A_98 = arith.constant 0 : i32
      %cond3A_99 = arith.cmpi ne, %convert_element_type3A_97, %cond3A_98 : i32
      scf.if %cond3A_99 {
        %mul3A_116 = arith.constant 16384 : i32
        %mul3A_117 = arith.muli %and3A_95, %mul3A_116 : i32
        %mul3A_118 = arith.constant 128 : i32
        %mul3A_119 = arith.muli %select_n3A, %mul3A_118 : i32
        %dma_wait3A_120 = tpu.memref_slice %arg8[%mul3A_117] : memref<65536xf32, #tpu.memory_space<vmem>> -> memref<16384xf32, #tpu.memory_space<vmem>>
        %dma_wait3A_121 = tpu.memref_slice %arg4[%mul3A_119] : memref<12800000xf32, #tpu.memory_space<hbm>> -> memref<16384xf32, #tpu.memory_space<hbm>>
        %dma_wait3A_122 = tpu.memref_slice %arg9[%and3A_95] : memref<4x!tpu.dma_semaphore, #tpu.memory_space<semaphore_mem>> -> memref<1x!tpu.dma_semaphore, #tpu.memory_space<semaphore_mem>>
        %dma_wait3A_123 = tpu.memref_squeeze %dma_wait3A_122 : memref<1x!tpu.dma_semaphore, #tpu.memory_space<semaphore_mem>> -> memref<!tpu.dma_semaphore, #tpu.memory_space<semaphore_mem>>
        %dma_wait3A_124 = tpu.memref_slice %arg4[%mul3A_119] : memref<12800000xf32, #tpu.memory_space<hbm>> -> memref<16384xf32, #tpu.memory_space<hbm>>
        %dma_wait3A_125 = tpu.memref_slice %arg8[%mul3A_117] : memref<65536xf32, #tpu.memory_space<vmem>> -> memref<16384xf32, #tpu.memory_space<vmem>>
        tpu.wait_dma2 semaphore(%dma_wait3A_123 : memref<!tpu.dma_semaphore, #tpu.memory_space<semaphore_mem>>) src(%dma_wait3A_125 : memref<16384xf32, #tpu.memory_space<vmem>>) dst(%dma_wait3A_124 : memref<16384xf32, #tpu.memory_space<hbm>>)
      } else {
      }
      %parallel_loop3A = arith.constant 0 : i32
      %parallel_loop3A_100 = arith.constant 8 : i32
      %parallel_loop3A_101 = arith.constant 1 : i32
      scf.for %parallel_loop3A_116 = %parallel_loop3A to %parallel_loop3A_100 step %parallel_loop3A_101  : i32 {
        %parallel_loop3A_117 = arith.constant 128 : i32
        %parallel_loop3A_118 = arith.muli %while3A_93, %parallel_loop3A_117 : i32
        %parallel_loop3A_119 = arith.constant 16 : i32
        %parallel_loop3A_120 = arith.muli %parallel_loop3A_116, %parallel_loop3A_119 : i32
        %parallel_loop3A_121 = arith.addi %parallel_loop3A_118, %parallel_loop3A_120 : i32
        %parallel_loop3A_122 = arith.index_cast %parallel_loop3A_121 : i32 to index
        %parallel_loop3A_123 = tpu.vector_load %arg6[%parallel_loop3A_122] {strides = array<i32>} : memref<3200xi32, #tpu.memory_space<vmem>>, vector<16xi32>,
        %parallel_loop3A_124 = arith.constant 16384 : i32
        %parallel_loop3A_125 = arith.muli %and3A_95, %parallel_loop3A_124 : i32
        %parallel_loop3A_126 = arith.constant 16 : i32
        %parallel_loop3A_127 = arith.muli %parallel_loop3A_116, %parallel_loop3A_126 : i32
        %parallel_loop3A_128 = arith.constant 128 : i32
        %parallel_loop3A_129 = arith.muli %parallel_loop3A_127, %parallel_loop3A_128 : i32
        %parallel_loop3A_130 = arith.addi %parallel_loop3A_125, %parallel_loop3A_129 : i32
        %parallel_loop3A_131 = arith.constant 128 : i32
        %parallel_loop3A_132 = vector.broadcast %parallel_loop3A_131 : i32 to vector<16xi32>
        %parallel_loop3A_133 = arith.muli %parallel_loop3A_123, %parallel_loop3A_132 : vector<16xi32>
        %parallel_loop3A_134 = arith.constant 128 : i32
        %parallel_loop3A_135 = vector.broadcast %parallel_loop3A_134 : i32 to vector<16xi32>
        %parallel_loop3A_136 = arith.muli %iota3A, %parallel_loop3A_135 : vector<16xi32>
        %parallel_loop3A_137 = vector.broadcast %parallel_loop3A_130 : i32 to vector<16xi32>
        %parallel_loop3A_138 = arith.addi %parallel_loop3A_137, %parallel_loop3A_136 : vector<16xi32>
        %parallel_loop3A_139 = arith.addi %parallel_loop3A_133, %iota3A : vector<16xi32>
        %parallel_loop3A_140 = arith.addi %parallel_loop3A_138, %iota3A : vector<16xi32>
        %parallel_loop3A_141 = arith.constant 0 : i32
        %parallel_loop3A_142 = arith.constant 112 : i32
        %parallel_loop3A_143 = arith.constant 1 : i32
        scf.for %parallel_loop3A_147 = %parallel_loop3A_141 to %parallel_loop3A_142 step %parallel_loop3A_143  : i32 {
          %parallel_loop3A_148 = vector.broadcast %parallel_loop3A_147 : i32 to vector<16xi32>
          %parallel_loop3A_149 = arith.addi %parallel_loop3A_139, %parallel_loop3A_148 : vector<16xi32>
          %parallel_loop3A_150 = tpu.vector_load_idx %arg5[%parallel_loop3A_149] : memref<12928xf32, #tpu.memory_space<vmem>>[vector<16xi32>], vector<16xf32>,
          %parallel_loop3A_151 = vector.broadcast %parallel_loop3A_147 : i32 to vector<16xi32>
          %parallel_loop3A_152 = arith.addi %parallel_loop3A_140, %parallel_loop3A_151 : vector<16xi32>
          tpu.vector_store_idx %arg8[%parallel_loop3A_152], %parallel_loop3A_150 : memref<65536xf32, #tpu.memory_space<vmem>>[vector<16xi32>], vector<16xf32>,
        } {sc.loop_unroll_factor = 16 : i64, sc.parallel_access}
        %parallel_loop3A_144 = arith.constant 112 : i32
        %parallel_loop3A_145 = arith.constant 128 : i32
        %parallel_loop3A_146 = arith.constant 1 : i32
        scf.for %parallel_loop3A_147 = %parallel_loop3A_144 to %parallel_loop3A_145 step %parallel_loop3A_146  : i32 {
          %parallel_loop3A_148 = vector.broadcast %parallel_loop3A_147 : i32 to vector<16xi32>
          %parallel_loop3A_149 = arith.addi %iota3A, %parallel_loop3A_148 : vector<16xi32>
          %parallel_loop3A_150 = arith.constant 127 : i32
          %parallel_loop3A_151 = vector.broadcast %parallel_loop3A_150 : i32 to vector<16xi32>
          %parallel_loop3A_152 = arith.andi %parallel_loop3A_149, %parallel_loop3A_151 : vector<16xi32>
          %parallel_loop3A_153 = arith.addi %parallel_loop3A_133, %parallel_loop3A_152 : vector<16xi32>
          %parallel_loop3A_154 = tpu.vector_load_idx %arg5[%parallel_loop3A_153] : memref<12928xf32, #tpu.memory_space<vmem>>[vector<16xi32>], vector<16xf32>,
          %parallel_loop3A_155 = arith.addi %parallel_loop3A_138, %parallel_loop3A_152 : vector<16xi32>
          tpu.vector_store_idx %arg8[%parallel_loop3A_155], %parallel_loop3A_154 : memref<65536xf32, #tpu.memory_space<vmem>>[vector<16xi32>], vector<16xf32>,
        } {sc.loop_unroll_factor = 16 : i64, sc.parallel_access}
      } {sc.loop_unroll_factor = 1 : i64, sc.parallel_access}
      %mul3A_102 = arith.constant 16384 : i32
      %mul3A_103 = arith.muli %and3A_95, %mul3A_102 : i32
      %mul3A_104 = arith.constant 128 : i32
      %mul3A_105 = arith.muli %while3A_93, %mul3A_104 : i32
      %add3A_106 = arith.addi %select_n3A, %mul3A_105 : i32
      %mul3A_107 = arith.constant 128 : i32
      %mul3A_108 = arith.muli %add3A_106, %mul3A_107 : i32
      %dma_start3A_109 = tpu.memref_slice %arg8[%mul3A_103] : memref<65536xf32, #tpu.memory_space<vmem>> -> memref<16384xf32, #tpu.memory_space<vmem>>
      %dma_start3A_110 = tpu.memref_slice %arg4[%mul3A_108] : memref<12800000xf32, #tpu.memory_space<hbm>> -> memref<16384xf32, #tpu.memory_space<hbm>>
      %dma_start3A_111 = tpu.memref_slice %arg9[%and3A_95] : memref<4x!tpu.dma_semaphore, #tpu.memory_space<semaphore_mem>> -> memref<1x!tpu.dma_semaphore, #tpu.memory_space<semaphore_mem>>
      %dma_start3A_112 = tpu.memref_squeeze %dma_start3A_111 : memref<1x!tpu.dma_semaphore, #tpu.memory_space<semaphore_mem>> -> memref<!tpu.dma_semaphore, #tpu.memory_space<semaphore_mem>>
      %dma_start3A_113 = tpu.memref_slice %arg4[%mul3A_108] : memref<12800000xf32, #tpu.memory_space<hbm>> -> memref<16384xf32, #tpu.memory_space<hbm>>
      %dma_start3A_114 = tpu.memref_slice %arg8[%mul3A_103] : memref<65536xf32, #tpu.memory_space<vmem>> -> memref<16384xf32, #tpu.memory_space<vmem>>
      tpu.enqueue_dma source(%dma_start3A_114 : memref<16384xf32, #tpu.memory_space<vmem>>) target(%dma_start3A_113 : memref<16384xf32, #tpu.memory_space<hbm>>) target_semaphore(%dma_start3A_112 : memref<!tpu.dma_semaphore, #tpu.memory_space<semaphore_mem>>)
      %while3A_115 = arith.constant 0 : i32
      scf.yield %while3A_115 : i32
    }
    %mul3A_45 = arith.constant 128 : i32
    %mul3A_46 = arith.muli %select_n3A, %mul3A_45 : i32
    %dma_wait3A_47 = arith.constant 0 : i32
    %dma_wait3A_48 = arith.constant 0 : i32
    %dma_wait3A_49 = tpu.memref_slice %arg8[%dma_wait3A_48] : memref<65536xf32, #tpu.memory_space<vmem>> -> memref<16384xf32, #tpu.memory_space<vmem>>
    %dma_wait3A_50 = tpu.memref_slice %arg4[%mul3A_46] : memref<12800000xf32, #tpu.memory_space<hbm>> -> memref<16384xf32, #tpu.memory_space<hbm>>
    %dma_wait3A_51 = tpu.memref_slice %arg9[%dma_wait3A_47] : memref<4x!tpu.dma_semaphore, #tpu.memory_space<semaphore_mem>> -> memref<1x!tpu.dma_semaphore, #tpu.memory_space<semaphore_mem>>
    %dma_wait3A_52 = tpu.memref_squeeze %dma_wait3A_51 : memref<1x!tpu.dma_semaphore, #tpu.memory_space<semaphore_mem>> -> memref<!tpu.dma_semaphore, #tpu.memory_space<semaphore_mem>>
    %dma_wait3A_53 = tpu.memref_slice %arg4[%mul3A_46] : memref<12800000xf32, #tpu.memory_space<hbm>> -> memref<16384xf32, #tpu.memory_space<hbm>>
    %dma_wait3A_54 = arith.constant 0 : i32
    %dma_wait3A_55 = tpu.memref_slice %arg8[%dma_wait3A_54] : memref<65536xf32, #tpu.memory_space<vmem>> -> memref<16384xf32, #tpu.memory_space<vmem>>
    tpu.wait_dma2 semaphore(%dma_wait3A_52 : memref<!tpu.dma_semaphore, #tpu.memory_space<semaphore_mem>>) src(%dma_wait3A_55 : memref<16384xf32, #tpu.memory_space<vmem>>) dst(%dma_wait3A_53 : memref<16384xf32, #tpu.memory_space<hbm>>)
    %mul3A_56 = arith.constant 128 : i32
    %mul3A_57 = arith.muli %select_n3A, %mul3A_56 : i32
    %dma_wait3A_58 = arith.constant 1 : i32
    %dma_wait3A_59 = arith.constant 16384 : i32
    %dma_wait3A_60 = tpu.memref_slice %arg8[%dma_wait3A_59] : memref<65536xf32, #tpu.memory_space<vmem>> -> memref<16384xf32, #tpu.memory_space<vmem>>
    %dma_wait3A_61 = tpu.memref_slice %arg4[%mul3A_57] : memref<12800000xf32, #tpu.memory_space<hbm>> -> memref<16384xf32, #tpu.memory_space<hbm>>
    %dma_wait3A_62 = tpu.memref_slice %arg9[%dma_wait3A_58] : memref<4x!tpu.dma_semaphore, #tpu.memory_space<semaphore_mem>> -> memref<1x!tpu.dma_semaphore, #tpu.memory_space<semaphore_mem>>
    %dma_wait3A_63 = tpu.memref_squeeze %dma_wait3A_62 : memref<1x!tpu.dma_semaphore, #tpu.memory_space<semaphore_mem>> -> memref<!tpu.dma_semaphore, #tpu.memory_space<semaphore_mem>>
    %dma_wait3A_64 = tpu.memref_slice %arg4[%mul3A_57] : memref<12800000xf32, #tpu.memory_space<hbm>> -> memref<16384xf32, #tpu.memory_space<hbm>>
    %dma_wait3A_65 = arith.constant 16384 : i32
    %dma_wait3A_66 = tpu.memref_slice %arg8[%dma_wait3A_65] : memref<65536xf32, #tpu.memory_space<vmem>> -> memref<16384xf32, #tpu.memory_space<vmem>>
    tpu.wait_dma2 semaphore(%dma_wait3A_63 : memref<!tpu.dma_semaphore, #tpu.memory_space<semaphore_mem>>) src(%dma_wait3A_66 : memref<16384xf32, #tpu.memory_space<vmem>>) dst(%dma_wait3A_64 : memref<16384xf32, #tpu.memory_space<hbm>>)
    %mul3A_67 = arith.constant 128 : i32
    %mul3A_68 = arith.muli %select_n3A, %mul3A_67 : i32
    %dma_wait3A_69 = arith.constant 2 : i32
    %dma_wait3A_70 = arith.constant 32768 : i32
    %dma_wait3A_71 = tpu.memref_slice %arg8[%dma_wait3A_70] : memref<65536xf32, #tpu.memory_space<vmem>> -> memref<16384xf32, #tpu.memory_space<vmem>>
    %dma_wait3A_72 = tpu.memref_slice %arg4[%mul3A_68] : memref<12800000xf32, #tpu.memory_space<hbm>> -> memref<16384xf32, #tpu.memory_space<hbm>>
    %dma_wait3A_73 = tpu.memref_slice %arg9[%dma_wait3A_69] : memref<4x!tpu.dma_semaphore, #tpu.memory_space<semaphore_mem>> -> memref<1x!tpu.dma_semaphore, #tpu.memory_space<semaphore_mem>>
    %dma_wait3A_74 = tpu.memref_squeeze %dma_wait3A_73 : memref<1x!tpu.dma_semaphore, #tpu.memory_space<semaphore_mem>> -> memref<!tpu.dma_semaphore, #tpu.memory_space<semaphore_mem>>
    %dma_wait3A_75 = tpu.memref_slice %arg4[%mul3A_68] : memref<12800000xf32, #tpu.memory_space<hbm>> -> memref<16384xf32, #tpu.memory_space<hbm>>
    %dma_wait3A_76 = arith.constant 32768 : i32
    %dma_wait3A_77 = tpu.memref_slice %arg8[%dma_wait3A_76] : memref<65536xf32, #tpu.memory_space<vmem>> -> memref<16384xf32, #tpu.memory_space<vmem>>
    tpu.wait_dma2 semaphore(%dma_wait3A_74 : memref<!tpu.dma_semaphore, #tpu.memory_space<semaphore_mem>>) src(%dma_wait3A_77 : memref<16384xf32, #tpu.memory_space<vmem>>) dst(%dma_wait3A_75 : memref<16384xf32, #tpu.memory_space<hbm>>)
    %mul3A_78 = arith.constant 128 : i32
    %mul3A_79 = arith.muli %select_n3A, %mul3A_78 : i32
    %dma_wait3A_80 = arith.constant 3 : i32
    %dma_wait3A_81 = arith.constant 49152 : i32
    %dma_wait3A_82 = tpu.memref_slice %arg8[%dma_wait3A_81] : memref<65536xf32, #tpu.memory_space<vmem>> -> memref<16384xf32, #tpu.memory_space<vmem>>
    %dma_wait3A_83 = tpu.memref_slice %arg4[%mul3A_79] : memref<12800000xf32, #tpu.memory_space<hbm>> -> memref<16384xf32, #tpu.memory_space<hbm>>
    %dma_wait3A_84 = tpu.memref_slice %arg9[%dma_wait3A_80] : memref<4x!tpu.dma_semaphore, #tpu.memory_space<semaphore_mem>> -> memref<1x!tpu.dma_semaphore, #tpu.memory_space<semaphore_mem>>
    %dma_wait3A_85 = tpu.memref_squeeze %dma_wait3A_84 : memref<1x!tpu.dma_semaphore, #tpu.memory_space<semaphore_mem>> -> memref<!tpu.dma_semaphore, #tpu.memory_space<semaphore_mem>>
    %dma_wait3A_86 = tpu.memref_slice %arg4[%mul3A_79] : memref<12800000xf32, #tpu.memory_space<hbm>> -> memref<16384xf32, #tpu.memory_space<hbm>>
    %dma_wait3A_87 = arith.constant 49152 : i32
    %dma_wait3A_88 = tpu.memref_slice %arg8[%dma_wait3A_87] : memref<65536xf32, #tpu.memory_space<vmem>> -> memref<16384xf32, #tpu.memory_space<vmem>>
    tpu.wait_dma2 semaphore(%dma_wait3A_85 : memref<!tpu.dma_semaphore, #tpu.memory_space<semaphore_mem>>) src(%dma_wait3A_88 : memref<16384xf32, #tpu.memory_space<vmem>>) dst(%dma_wait3A_86 : memref<16384xf32, #tpu.memory_space<hbm>>)
    %eq3A = arith.constant 31 : i32
    %eq3A_89 = arith.cmpi eq, %add3A, %eq3A : i32
    %convert_element_type3A_90 = arith.extui %eq3A_89 : i1 to i32
    %cond3A_91 = arith.constant 0 : i32
    %cond3A_92 = arith.cmpi ne, %convert_element_type3A_90, %cond3A_91 : i32
    scf.if %cond3A_92 {
      "tpu.region"() ({
        %run_scoped3A = tpu.sem_alloc : memref<!tpu.dma_semaphore, #tpu.memory_space<semaphore_mem>>
        %dma_start3A_129 = arith.constant 99968 : i32
        %dma_start3A_130 = tpu.memref_slice %arg2[%dma_start3A_129] : memref<100000xi32, #tpu.memory_space<hbm>> -> memref<32xi32, #tpu.memory_space<hbm>>
        %dma_start3A_131 = arith.constant 99968 : i32
        %dma_start3A_132 = tpu.memref_slice %arg2[%dma_start3A_131] : memref<100000xi32, #tpu.memory_space<hbm>> -> memref<32xi32, #tpu.memory_space<hbm>>
        tpu.enqueue_dma source(%dma_start3A_132 : memref<32xi32, #tpu.memory_space<hbm>>) target(%arg7 : memref<32xi32, #tpu.memory_space<vmem>>) target_semaphore(%run_scoped3A : memref<!tpu.dma_semaphore, #tpu.memory_space<semaphore_mem>>)
        %dma_wait3A_133 = arith.constant 99968 : i32
        %dma_wait3A_134 = tpu.memref_slice %arg2[%dma_wait3A_133] : memref<100000xi32, #tpu.memory_space<hbm>> -> memref<32xi32, #tpu.memory_space<hbm>>
        %dma_wait3A_135 = arith.constant 99968 : i32
        %dma_wait3A_136 = tpu.memref_slice %arg2[%dma_wait3A_135] : memref<100000xi32, #tpu.memory_space<hbm>> -> memref<32xi32, #tpu.memory_space<hbm>>
        tpu.wait_dma2 semaphore(%run_scoped3A : memref<!tpu.dma_semaphore, #tpu.memory_space<semaphore_mem>>) src(%dma_wait3A_136 : memref<32xi32, #tpu.memory_space<hbm>>) dst(%arg7 : memref<32xi32, #tpu.memory_space<vmem>>)
        tpu.yield
      }) : () -> ()
      %get3A = arith.constant 0 : index
      %get3A_93 = tpu.vector_load %arg7[%get3A] {strides = array<i32>} : memref<32xi32, #tpu.memory_space<vmem>>, vector<16xi32>,
      %mul3A_94 = arith.constant 128 : i32
      %mul3A_95 = vector.broadcast %mul3A_94 : i32 to vector<16xi32>
      %mul3A_96 = arith.muli %get3A_93, %mul3A_95 : vector<16xi32>
      %mul3A_97 = arith.constant 128 : i32
      %mul3A_98 = vector.broadcast %mul3A_97 : i32 to vector<16xi32>
      %mul3A_99 = arith.muli %iota3A, %mul3A_98 : vector<16xi32>
      %add3A_100 = arith.constant 0 : i32
      %add3A_101 = vector.broadcast %add3A_100 : i32 to vector<16xi32>
      %add3A_102 = arith.addi %add3A_101, %mul3A_99 : vector<16xi32>
      %add3A_103 = arith.addi %mul3A_96, %iota3A : vector<16xi32>
      %add3A_104 = arith.addi %add3A_102, %iota3A : vector<16xi32>
      %parallel_loop3A = arith.constant 0 : i32
      %parallel_loop3A_105 = arith.constant 112 : i32
      %parallel_loop3A_106 = arith.constant 1 : i32
      scf.for %parallel_loop3A_129 = %parallel_loop3A to %parallel_loop3A_105 step %parallel_loop3A_106  : i32 {
        %parallel_loop3A_130 = vector.broadcast %parallel_loop3A_129 : i32 to vector<16xi32>
        %parallel_loop3A_131 = arith.addi %add3A_103, %parallel_loop3A_130 : vector<16xi32>
        %parallel_loop3A_132 = tpu.vector_load_idx %arg5[%parallel_loop3A_131] : memref<12928xf32, #tpu.memory_space<vmem>>[vector<16xi32>], vector<16xf32>,
        %parallel_loop3A_133 = vector.broadcast %parallel_loop3A_129 : i32 to vector<16xi32>
        %parallel_loop3A_134 = arith.addi %add3A_104, %parallel_loop3A_133 : vector<16xi32>
        tpu.vector_store_idx %arg8[%parallel_loop3A_134], %parallel_loop3A_132 : memref<65536xf32, #tpu.memory_space<vmem>>[vector<16xi32>], vector<16xf32>,
      } {sc.loop_unroll_factor = 16 : i64, sc.parallel_access}
      %parallel_loop3A_107 = arith.constant 112 : i32
      %parallel_loop3A_108 = arith.constant 128 : i32
      %parallel_loop3A_109 = arith.constant 1 : i32
      scf.for %parallel_loop3A_129 = %parallel_loop3A_107 to %parallel_loop3A_108 step %parallel_loop3A_109  : i32 {
        %parallel_loop3A_130 = vector.broadcast %parallel_loop3A_129 : i32 to vector<16xi32>
        %parallel_loop3A_131 = arith.addi %iota3A, %parallel_loop3A_130 : vector<16xi32>
        %parallel_loop3A_132 = arith.constant 127 : i32
        %parallel_loop3A_133 = vector.broadcast %parallel_loop3A_132 : i32 to vector<16xi32>
        %parallel_loop3A_134 = arith.andi %parallel_loop3A_131, %parallel_loop3A_133 : vector<16xi32>
        %parallel_loop3A_135 = arith.addi %mul3A_96, %parallel_loop3A_134 : vector<16xi32>
        %parallel_loop3A_136 = tpu.vector_load_idx %arg5[%parallel_loop3A_135] : memref<12928xf32, #tpu.memory_space<vmem>>[vector<16xi32>], vector<16xf32>,
        %parallel_loop3A_137 = arith.addi %add3A_102, %parallel_loop3A_134 : vector<16xi32>
        tpu.vector_store_idx %arg8[%parallel_loop3A_137], %parallel_loop3A_136 : memref<65536xf32, #tpu.memory_space<vmem>>[vector<16xi32>], vector<16xf32>,
      } {sc.loop_unroll_factor = 16 : i64, sc.parallel_access}
      %get3A_110 = arith.constant 16 : index
      %get3A_111 = tpu.vector_load %arg7[%get3A_110] {strides = array<i32>} : memref<32xi32, #tpu.memory_space<vmem>>, vector<16xi32>,
      %mul3A_112 = arith.constant 128 : i32
      %mul3A_113 = vector.broadcast %mul3A_112 : i32 to vector<16xi32>
      %mul3A_114 = arith.muli %get3A_111, %mul3A_113 : vector<16xi32>
      %mul3A_115 = arith.constant 128 : i32
      %mul3A_116 = vector.broadcast %mul3A_115 : i32 to vector<16xi32>
      %mul3A_117 = arith.muli %iota3A, %mul3A_116 : vector<16xi32>
      %add3A_118 = arith.constant 2048 : i32
      %add3A_119 = vector.broadcast %add3A_118 : i32 to vector<16xi32>
      %add3A_120 = arith.addi %add3A_119, %mul3A_117 : vector<16xi32>
      %add3A_121 = arith.addi %mul3A_114, %iota3A : vector<16xi32>
      %add3A_122 = arith.addi %add3A_120, %iota3A : vector<16xi32>
      %parallel_loop3A_123 = arith.constant 0 : i32
      %parallel_loop3A_124 = arith.constant 112 : i32
      %parallel_loop3A_125 = arith.constant 1 : i32
      scf.for %parallel_loop3A_129 = %parallel_loop3A_123 to %parallel_loop3A_124 step %parallel_loop3A_125  : i32 {
        %parallel_loop3A_130 = vector.broadcast %parallel_loop3A_129 : i32 to vector<16xi32>
        %parallel_loop3A_131 = arith.addi %add3A_121, %parallel_loop3A_130 : vector<16xi32>
        %parallel_loop3A_132 = tpu.vector_load_idx %arg5[%parallel_loop3A_131] : memref<12928xf32, #tpu.memory_space<vmem>>[vector<16xi32>], vector<16xf32>,
        %parallel_loop3A_133 = vector.broadcast %parallel_loop3A_129 : i32 to vector<16xi32>
        %parallel_loop3A_134 = arith.addi %add3A_122, %parallel_loop3A_133 : vector<16xi32>
        tpu.vector_store_idx %arg8[%parallel_loop3A_134], %parallel_loop3A_132 : memref<65536xf32, #tpu.memory_space<vmem>>[vector<16xi32>], vector<16xf32>,
      } {sc.loop_unroll_factor = 16 : i64, sc.parallel_access}
      %parallel_loop3A_126 = arith.constant 112 : i32
      %parallel_loop3A_127 = arith.constant 128 : i32
      %parallel_loop3A_128 = arith.constant 1 : i32
      scf.for %parallel_loop3A_129 = %parallel_loop3A_126 to %parallel_loop3A_127 step %parallel_loop3A_128  : i32 {
        %parallel_loop3A_130 = vector.broadcast %parallel_loop3A_129 : i32 to vector<16xi32>
        %parallel_loop3A_131 = arith.addi %iota3A, %parallel_loop3A_130 : vector<16xi32>
        %parallel_loop3A_132 = arith.constant 127 : i32
        %parallel_loop3A_133 = vector.broadcast %parallel_loop3A_132 : i32 to vector<16xi32>
        %parallel_loop3A_134 = arith.andi %parallel_loop3A_131, %parallel_loop3A_133 : vector<16xi32>
        %parallel_loop3A_135 = arith.addi %mul3A_114, %parallel_loop3A_134 : vector<16xi32>
        %parallel_loop3A_136 = tpu.vector_load_idx %arg5[%parallel_loop3A_135] : memref<12928xf32, #tpu.memory_space<vmem>>[vector<16xi32>], vector<16xf32>,
        %parallel_loop3A_137 = arith.addi %add3A_120, %parallel_loop3A_134 : vector<16xi32>
        tpu.vector_store_idx %arg8[%parallel_loop3A_137], %parallel_loop3A_136 : memref<65536xf32, #tpu.memory_space<vmem>>[vector<16xi32>], vector<16xf32>,
      } {sc.loop_unroll_factor = 16 : i64, sc.parallel_access}
      "tpu.region"() ({
        %run_scoped3A = tpu.sem_alloc : memref<!tpu.dma_semaphore, #tpu.memory_space<semaphore_mem>>
        %dma_start3A_129 = arith.constant 0 : i32
        %dma_start3A_130 = tpu.memref_slice %arg8[%dma_start3A_129] : memref<65536xf32, #tpu.memory_space<vmem>> -> memref<4096xf32, #tpu.memory_space<vmem>>
        %dma_start3A_131 = arith.constant 12795904 : i32
        %dma_start3A_132 = tpu.memref_slice %arg4[%dma_start3A_131] : memref<12800000xf32, #tpu.memory_space<hbm>> -> memref<4096xf32, #tpu.memory_space<hbm>>
        %dma_start3A_133 = arith.constant 12795904 : i32
        %dma_start3A_134 = tpu.memref_slice %arg4[%dma_start3A_133] : memref<12800000xf32, #tpu.memory_space<hbm>> -> memref<4096xf32, #tpu.memory_space<hbm>>
        %dma_start3A_135 = arith.constant 0 : i32
        %dma_start3A_136 = tpu.memref_slice %arg8[%dma_start3A_135] : memref<65536xf32, #tpu.memory_space<vmem>> -> memref<4096xf32, #tpu.memory_space<vmem>>
        tpu.enqueue_dma source(%dma_start3A_136 : memref<4096xf32, #tpu.memory_space<vmem>>) target(%dma_start3A_134 : memref<4096xf32, #tpu.memory_space<hbm>>) target_semaphore(%run_scoped3A : memref<!tpu.dma_semaphore, #tpu.memory_space<semaphore_mem>>)
        %dma_wait3A_137 = arith.constant 0 : i32
        %dma_wait3A_138 = tpu.memref_slice %arg8[%dma_wait3A_137] : memref<65536xf32, #tpu.memory_space<vmem>> -> memref<4096xf32, #tpu.memory_space<vmem>>
        %dma_wait3A_139 = arith.constant 12795904 : i32
        %dma_wait3A_140 = tpu.memref_slice %arg4[%dma_wait3A_139] : memref<12800000xf32, #tpu.memory_space<hbm>> -> memref<4096xf32, #tpu.memory_space<hbm>>
        %dma_wait3A_141 = arith.constant 12795904 : i32
        %dma_wait3A_142 = tpu.memref_slice %arg4[%dma_wait3A_141] : memref<12800000xf32, #tpu.memory_space<hbm>> -> memref<4096xf32, #tpu.memory_space<hbm>>
        %dma_wait3A_143 = arith.constant 0 : i32
        %dma_wait3A_144 = tpu.memref_slice %arg8[%dma_wait3A_143] : memref<65536xf32, #tpu.memory_space<vmem>> -> memref<4096xf32, #tpu.memory_space<vmem>>
        tpu.wait_dma2 semaphore(%run_scoped3A : memref<!tpu.dma_semaphore, #tpu.memory_space<semaphore_mem>>) src(%dma_wait3A_144 : memref<4096xf32, #tpu.memory_space<vmem>>) dst(%dma_wait3A_142 : memref<4096xf32, #tpu.memory_space<hbm>>)
        tpu.yield
      }) : () -> ()
    } else {
    }
    return
  }
}

</mosaic_0001>

<sc_bundles>
// kernel: kernel.3.cloned.1.call-start
scs
__scs_entry_jumppad:
0x0: {  	(pc) =	sbr.rel $0x88, $3  }
0x1: {  	(tag) =	ssettag $0x0;
	lr =	simm.s32 $0x1  }
0x2: {  	[smem:$0x3F9F] =	sst lr;
	_ =	strace $0xD0000000  }
0x3: {  	_ = 	snop  }
0x4: {  	_ = 	snop  }
0x5: {  	_ = 	snop  }
0x6: {  	_ = 	snop  }
0x7: {  	_ = 	snop  }
__scs_overlays_trampoline_lowered:
0x8: {  	[smem:$0x3FAE] =	sst s0  }
0x9: {  	[smem:$0x3FAF] =	sst s1  }
0xa: {  	[smem:$0x3FB0] =	sst s2  }
0xb: {  	[smem:$0x3FB1] =	sst s3  }
0xc: {  	[smem:$0x3FB2] =	sst s4  }
0xd: {  	[smem:$0x3FB3] =	sst s5  }
0xe: {  	[smem:$0x3FB4] =	sst s6  }
0xf: {  	[smem:$0x3FB5] =	sst s7  }
0x10: {  	[smem:$0x3FB6] =	sst s8  }
0x11: {  	[smem:$0x3FB7] =	sst s9;
	s0 =	simm.s32 @!p0 $0x0  }
0x12: {  	s1 =	sld [smem:$0x3F9D];
	s0 =	simm.s32 @p0 $0x1  }
0x13: {  	[smem:$0x3FB8] =	sst s0;
	s0 =	simm.s32 @!p1 $0x0  }
0x14: {  	s2 =	sld [smem:$0x3F9C];
	s0 =	simm.s32 @p1 $0x1  }
0x15: {  	[smem:$0x3FB9] =	sst s0;
	s0 =	simm.s32 @!p2 $0x0  }
0x16: {  	s3 =	sld [smem:$0x3FDB];
	s0 =	simm.s32 @p2 $0x1  }
0x17: {  	s4 =	simm.s32 $0x1BF5;
	[smem:$0x3FBB] =	sst s0  }
0x18: {  	s0 =	sld [smem:$0x3F9E];
	_ =	swait.ge [sflag:s4], $0x0  }
0x19: {  	s7 =	sld [smem:$0x3F9F]  }
0x1a: {  	s8 =	sadd.s32 $0xFFFFE003, lr  }
0x1b: {  	s9 =	sadd.s32 $0xFFFFFEF7, lr;
	s5 =	simm.s32 $0xFFFFFFFF;
	p2 =	slt.u32 s8, $0xFFFFF086  }
0x1c: {  	p1 =	slt.u32 s9, $0xF7A;
	s5 =	simm.s32 @!p2 $0x0  }
0x1d: {  	s5 =	simm.s32 @p1 $0x1;
	p0 =	seq.s32 s7, s2  }
0x1e: {  	s7 =	smul.u32 @!p0 $0xF7A, s2;
	p2 =	seq.s32 @!p0 s5, $0x0  }
0x1f: {  	s9 =	smul.u32 $0xF7A, s1;
	s8 =	simm.s32 @!p0 $0x1BF5;
	p2 =	por !p2, p0  }
0x20: {  	[sflag:s8] =	ssyncset.s32 @!p0 $0xFFFFF086;
	s6 =	sadd.s32 @!p0 s3, s7;
	s7 =	simm.s32 @!p0 $0x108  }
0x21: {  	s3 =	sadd.s32 s3, s9;
	s6 =	sadd.s32 @!p0 $0x88, s6;
	s7 =	simm.s32 @p2 $0x1082  }
0x22: {  	[simem:s7], [sflag:s8] =	dma.local @!p0 [hbm:s6], $0xF7A  }
0x23: {  	s9 =	sor.u32 $0xD0000000, s2;
	s6 =	simm.s32 $0x108;
	_ =	swait.ge @!p0 [sflag:s8], $0x0  }
0x24: {  	s3 =	sadd.s32 $0x88, s3;
	s6 =	simm.s32 @!p1 $0x1082;
	[sflag:s4] =	ssyncset.s32 $0xFFFFF086  }
0x25: {  	[simem:s6], [sflag:s4] =	dma.local [hbm:s3], $0xF7A  }
0x26: {  	[smem:$0x3F9F] =	sst s1;
	(tag) =	ssettag s2;
	_ =	strace s9  }
0x27: {  	s1 =	sld [smem:$0x3FAF]  }
0x28: {  	s2 =	sld [smem:$0x3FB0]  }
0x29: {  	s4 =	sld [smem:$0x3FB2]  }
0x2a: {  	p0 =	seq.s32 s5, $0x0;
	s5 =	sld [smem:$0x3FB3]  }
0x2b: {  	s6 =	sld [smem:$0x3FB4]  }
0x2c: {  	s7 =	sld [smem:$0x3FB5]  }
0x2d: {  	s3 =	simm.s32 $0x108;
	s8 =	sld [smem:$0x3FB6]  }
0x2e: {  	s3 =	simm.s32 @!p0 $0x1082;
	s9 =	sld [smem:$0x3FB7]  }
0x2f: {  	lr =	sadd.s32 s0, s3;
	s0 =	sld [smem:$0x3FAE]  }
0x30: {  	s3 =	sld [smem:$0x3FB1]  }
0x31: {  	[smem:$0x3FBA] =	sst s10  }
0x32: {  	s10 =	sld [smem:$0x3FB8];
	_ =	sdelay $0x3  }
0x33: {  	p0 =	seq.s32 s10, $0x1;
	s10 =	sld [smem:$0x3FBA];
	_ =	sdelay $0x3  }
0x34: {  	[smem:$0x3FBA] =	sst s10  }
0x35: {  	s10 =	sld [smem:$0x3FB9];
	_ =	sdelay $0x3  }
0x36: {  	p1 =	seq.s32 s10, $0x1;
	s10 =	sld [smem:$0x3FBA];
	_ =	sdelay $0x3  }
0x37: {  	[smem:$0x3FBA] =	sst s10  }
0x38: {  	s10 =	sld [smem:$0x3FBB]  }
0x39: {  	_ = 	snop;
	(pc) =	sbr.ind lr, $3  }
0x3a: {  	_ = 	snop  }
0x3b: {  	_ = 	snop  }
0x3c: {  	p2 =	seq.s32 s10, $0x1;
	s10 =	sld [smem:$0x3FBA]  }
0x3d: {  	_ =	shalt  }
0x3e: {  	_ =	shalt  }
0x3f: {  	_ =	shalt  }
0x40: {  	_ =	shalt  }
0x41: {  	_ =	shalt  }
0x42: {  	_ =	shalt  }
0x43: {  	_ =	shalt  }
0x44: {  	_ =	shalt  }
0x45: {  	_ =	shalt  }
0x46: {  	_ =	shalt  }
0x47: {  	_ =	shalt  }
0x48: {  	_ =	shalt  }
0x49: {  	_ =	shalt  }
0x4a: {  	_ =	shalt  }
0x4b: {  	_ =	shalt  }
0x4c: {  	_ =	shalt  }
0x4d: {  	_ =	shalt  }
0x4e: {  	_ =	shalt  }
0x4f: {  	_ =	shalt  }
0x50: {  	_ =	shalt  }
0x51: {  	_ =	shalt  }
0x52: {  	_ =	shalt  }
0x53: {  	_ =	shalt  }
0x54: {  	_ =	shalt  }
0x55: {  	_ =	shalt  }
0x56: {  	_ =	shalt  }
0x57: {  	_ =	shalt  }
0x58: {  	_ =	shalt  }
0x59: {  	_ =	shalt  }
0x5a: {  	_ =	shalt  }
0x5b: {  	_ =	shalt  }
0x5c: {  	_ =	shalt  }
0x5d: {  	_ =	shalt  }
0x5e: {  	_ =	shalt  }
0x5f: {  	_ =	shalt  }
0x60: {  	_ =	shalt  }
0x61: {  	_ =	shalt  }
0x62: {  	_ =	shalt  }
0x63: {  	_ =	shalt  }
0x64: {  	_ =	shalt  }
0x65: {  	_ =	shalt  }
0x66: {  	_ =	shalt  }
0x67: {  	_ =	shalt  }
0x68: {  	_ =	shalt  }
0x69: {  	_ =	shalt  }
0x6a: {  	_ =	shalt  }
0x6b: {  	_ =	shalt  }
0x6c: {  	_ =	shalt  }
0x6d: {  	_ =	shalt  }
0x6e: {  	_ =	shalt  }
0x6f: {  	_ =	shalt  }
0x70: {  	_ =	shalt  }
0x71: {  	_ =	shalt  }
0x72: {  	_ =	shalt  }
0x73: {  	_ =	shalt  }
0x74: {  	_ =	shalt  }
0x75: {  	_ =	shalt  }
0x76: {  	_ =	shalt  }
0x77: {  	_ =	shalt  }
0x78: {  	_ =	shalt  }
0x79: {  	_ =	shalt  }
0x7a: {  	_ =	shalt  }
0x7b: {  	_ =	shalt  }
0x7c: {  	_ =	shalt  }
0x7d: {  	_ =	shalt  }
0x7e: {  	_ =	shalt  }
0x7f: {  	_ =	shalt  }
0x80: {  	_ =	shalt  }
0x81: {  	_ =	shalt  }
0x82: {  	_ =	shalt  }
0x83: {  	_ =	shalt  }
0x84: {  	_ =	shalt  }
0x85: {  	_ =	shalt  }
0x86: {  	_ =	shalt  }
0x87: {  	_ =	shalt  }
.Lfunc_end0:
.L_simem_size_0:
called_computation_lowered:
.L_overlay_start_0:
0x88: {  	s2 =	sld [smem:$0x3FD9]  }
0x89: {  	s3 =	sld [smem:$0x3FFE];
	_ =	sdelay $0x1  }
0x8a: {  	s1 =	srdreg.scid  }
0x8b: {  	s0 =	sand.u32 $0x1, s1  }
0x8c: {  	s17 =	sshll.u32 s0, $0xA;
	s2 =	sadd.s32 s3, s2  }
0x8d: {  	s2 =	sadd.s32 s2, s17  }
0x8e: {  	[smem:$0x3FC6] =	sst s2  }
0x8f: {  	_ = 	snop  }
0x90: {  	s2 =	sld [smem:$0x3FC9]  }
0x91: {  	s18 =	sld [smem:$0x3FD0];
	(tm) =	ssettm $0x1  }
0x92: {  	s4 =	sld [smem:$0x3FFB];
	_ =	sdelay $0x3  }
0x93: {  	_ =	strace s4  }
0x94: {  	s4 =	sld [smem:$0x3FFC];
	_ =	sdelay $0x3  }
0x95: {  	_ =	strace s4  }
0x96: {  	s4 =	sld [smem:$0x3FFD];
	_ =	sdelay $0x3  }
0x97: {  	_ =	strace s4  }
0x98: {  	_ =	strace $0x8FFFFFFF  }
0x99: {  	s19 =	sld [smem:$0x3FDB];
	_ =	sdelay $0x1  }
0x9a: {  	s5 =	simm.s32 $_scs_section_size  }
0x9b: {  	s6 =	simm.s32 $_size__tile_overlayer_lowered;
	s7 =	simm.s32 $_tile_overlayer_lowered  }
0x9c: {  	s22 =	simm.s32 $0x1BFF;
	s21 =	sshll.u32 s7, $0x1;
	s4 =	sadd.s32 s5, s19  }
0x9d: {  	s8 =	simm.s32 $0x0;
	s20 =	sshll.u32 s6, $0x1;
	s6 =	sadd.s32 s21, s4  }
0x9e: {  	[timem:s8], [sflag:s22] =	dma.local [hbm:s6], s20  }
0x9f: {  	_ =	swait.ge [sflag:s22], s20  }
0xa0: {  	s5 =	ssub.s32 $0x0, s20;
	[sflag:s22] =	ssyncset.done $0x0  }
0xa1: {  	[sflag:s22] =	ssyncadd.s32 s5;
	_ =	sdelay $0x1  }
0xa2: {  	s23 =	simm.s32 $0x1B8B  }
0xa3: {  	_ =	swait.ge [sflag:s23], $0x1  }
0xa4: {  	[sflag:s23] =	ssyncset.done $0x0  }
0xa5: {  	s25 =	simm.s32 $0x1B8E;
	s24 =	sld [smem:$0x3FFE];
	[sflag:s23] =	ssyncadd.s32 $0xFFFFFFFF  }
0xa6: {  	s26 =	simm.s32 $execute0_lowered;
	[smem:$0x3FD2] =	sst s25  }
0xa7: {  	s6 =	sshll.u32 s26, $0x1;
	_ =	strace $0x80000046;
	[dreg:$0x1] =	wrdreg $0xFFFFFFFF  }
0xa8: {  	s28 =	simm.s32 $_size_execute0_lowered;
	s4 =	sadd.s32 s4, s6;
	[dreg:$0x0] =	wrdreg $0x0  }
0xa9: {  	s6 =	sshll.u32 s28, $0x1;
	[dreg:$0x2] =	wrdreg s4  }
0xaa: {  	[dreg:$0x3] =	wrdreg s6  }
0xab: {  	[dreg:$0x4] =	wrdreg $0xC0  }
0xac: {  	_ =	task [dreg:s8], $0x5FFFF  }
0xad: {  	[dreg:$0x1] =	wrdreg $0xFFFFFFFF  }
0xae: {  	[dreg:$0x0] =	wrdreg $0x60  }
0xaf: {  	[dreg:$0x2] =	wrdreg s2  }
0xb0: {  	[dreg:$0x3] =	wrdreg s24  }
0xb1: {  	[dreg:$0x4] =	wrdreg s18  }
0xb2: {  	[dreg:$0x5] =	wrdreg $0x9  }
0xb3: {  	_ =	task.clear_ibuf [dreg:s8], $0x6FFFF;
	_ =	strace $0x90000046  }
0xb4: {  	s29 =	simm.s32 $0x9;
	_ =	strace $0x80000048  }
0xb5: {  	_ =	swait.ge [sflag:s29], $0x1  }
0xb6: {  	[sflag:s29] =	ssyncadd.s32 $0xFFFFFFFF  }
0xb7: {  	_ =	strace $0x90000048  }
0xb8: {  	_ =	sfence  }
0xb9: {  	s30 =	sld [smem:$0x0];
	_ =	sdelay $0x2  }
0xba: {  	s31 =	sshll.u32 s1, $0xD;
	s1 =	sshrl.u32 s1, $0x2  }
0xbb: {  	s3 =	sand.u32 $0x4000, s31;
	s1 =	sadd.s32 s1, s30  }
0xbc: {  	s0 =	sor.u32 s3, s0;
	s1 =	sshll.u32 s1, $0x11  }
0xbd: {  	s0 =	sor.u32 s1, s0  }
0xbe: {  	s0 =	sadd.s32 $0x8F2B, s0  }
0xbf: {  	[sflag:s0] =	ssyncadd.remote.s32 $0x1  }
0xc0: {  	_ =	sfence.sel $0xFFFF  }
0xc1: {  	[dreg:$0x0] =	wrdreg $0xFFFFFFFF;
	(pc) =	sbr.abs _section_cstart, $3  }
0xc2: {  	[dreg:$0x1] =	wrdreg $0xFFFFFFFF  }
0xc3: {  	_ =	task.clear_ibuf [dreg:s8], $0x2FFFF;
	_ =	strace $0x9FFFFFFF  }
0xc4: {  	(tm) =	ssettm $0x7FFFFFFF  }
0xc5: {  	_ =	shalt  }
tec
execute0_lowered:
.L_overlay_start_1:
0x0: {  	(tag) =	ssettag $0x1  }
0x1: {  	v0 =	vimm.s32 $0x74737271;
	v1 =	vimm.s32 $0x78777675;
	vm2 =	vcmask $0x1F10  }
0x2: {  	v2 =	vimm.s32 $0x780;
	vm4 =	vcmask $0x300;
	vm7 =	vcmask $0x704  }
0x3: {  	v3 =	vimm.s32 $0x7F7E7D;
	vm6 =	vcmask $0xB08;
	vm5 =	vcmask $0xF0C  }
0x4: {  	vm3 =	vcmask $0x1310;
	v4 =	vimm.s32 $0x75747372;
	vm1 =	vcmask $0x1714  }
0x5: {  	v5 =	vimm.s32 $0x79787776;
	v6 =	vimm.s32 $0x7D7C7B7A;
	v7 =	vimm.s32 $0x1007F7E  }
0x6: {  	vm0 =	vcmask $0x1B18;
	v9 =	vimm.s32 $0x7E7D7C7B;
	v10 =	vimm.s32 $0x201007F  }
0x7: {  	v11 =	vimm.s32 $0x3020100;
	v12 =	vimm.s32 $0x7F7E7D7C;
	v13 =	vimm.s32 $0x77767574  }
0x8: {  	v14 =	vimm.s32 $0x7B7A7978;
	v15 =	vimm.s32 $0x4030201;
	vm13 =	vcmask $0x2F10  }
0x9: {  	vm14 =	vcmask $0x3F30;
	vm15 =	vcmask $0x1F1C;
	v16 =	vimm.s32 $0x78C  }
0xa: {  	v17 =	vimm.s32 $0x78D;
	v18 =	vimm.s32 $0x78E;
	v19 =	vimm.s32 $0xF80  }
0xb: {  	v20 =	vimm.s32 $0xF81;
	v21 =	vimm.s32 $0xF82;
	v22 =	vimm.s32 $0xF83  }
0xc: {  	v23 =	vimm.s32 $0xF84;
	v24 =	vimm.s32 $0xF85;
	v25 =	vimm.s32 $0xF86  }
0xd: {  	v26 =	vimm.s32 $0xF87;
	v27 =	vimm.s32 $0xF88;
	v28 =	vimm.s32 $0xF89  }
0xe: {  	v29 =	vimm.s32 $0xF8A;
	v30 =	vimm.s32 $0xF8B;
	v31 =	vimm.s32 $0xF8C  }
0xf: {  	v32 =	vimm.s32 $0xF8D;
	v33 =	vimm.s32 $0xF8E;
	vm9 =	vcmask $0x2320  }
0x10: {  	vm10 =	vcmask $0x2724;
	vm11 =	vcmask $0x2B28;
	vm12 =	vcmask $0x2F2C  }
0x11: {  	v62 =	vimm.s32 $0x98765432;
	v63 =	vimm.s32 $0xA9876543;
	v0 =	vunpack.c.0.s8.s32 v0  }
0x12: {  	v1 =	vunpack.c.0.s8.s32 v1;
	v2 =	vsel vm4, $0x71, v2;
	v3 =	vunpack.c.0.s8.s32 v3  }
0x13: {  	v4 =	vunpack.c.0.s8.s32 v4;
	v5 =	vunpack.c.0.s8.s32 v5;
	v6 =	vunpack.c.0.s8.s32 v6  }
0x14: {  	v7 =	vunpack.c.0.s8.s32 v7;
	v9 =	vunpack.c.0.s8.s32 v9;
	v10 =	vunpack.c.0.s8.s32 v10  }
0x15: {  	v11 =	vunpack.c.0.s8.s32 v11;
	v12 =	vunpack.c.0.s8.s32 v12;
	v13 =	vunpack.c.0.s8.s32 v13  }
0x16: {  	v14 =	vunpack.c.0.s8.s32 v14;
	v15 =	vunpack.c.0.s8.s32 v15;
	v16 =	vsel vm4, $0x7D, v16  }
0x17: {  	v17 =	vsel vm4, $0x7E, v17;
	v18 =	vsel vm4, $0x7F, v18;
	v19 =	vsel vm4, $0x871, v19  }
0x18: {  	v20 =	vsel vm4, $0x872, v20;
	v21 =	vsel vm4, $0x873, v21;
	v22 =	vsel vm4, $0x874, v22  }
0x19: {  	v23 =	vsel vm4, $0x875, v23;
	v24 =	vsel vm4, $0x876, v24;
	v25 =	vsel vm4, $0x877, v25  }
0x1a: {  	v26 =	vsel vm4, $0x878, v26;
	v27 =	vsel vm4, $0x879, v27;
	v28 =	vsel vm4, $0x87A, v28  }
0x1b: {  	v29 =	vsel vm4, $0x87B, v29;
	v30 =	vsel vm4, $0x87C, v30;
	v31 =	vsel vm4, $0x87D, v31  }
0x1c: {  	v32 =	vsel vm4, $0x87E, v32;
	v33 =	vsel vm4, $0x87F, v33;
	v2 =	vsel vm7, $0xF2, v2  }
0x1d: {  	v16 =	vsel vm7, $0xFE, v16;
	v17 =	vsel vm7, $0xFF, v17;
	v18 =	vsel vm7, $0x80, v18  }
0x1e: {  	v19 =	vsel vm7, $0x8F2, v19;
	v20 =	vsel vm7, $0x8F3, v20;
	v21 =	vsel vm7, $0x8F4, v21  }
0x1f: {  	v22 =	vsel vm7, $0x8F5, v22;
	v23 =	vsel vm7, $0x8F6, v23;
	v24 =	vsel vm7, $0x8F7, v24  }
0x20: {  	v25 =	vsel vm7, $0x8F8, v25;
	v26 =	vsel vm7, $0x8F9, v26;
	v27 =	vsel vm7, $0x8FA, v27  }
0x21: {  	v28 =	vsel vm7, $0x8FB, v28;
	v29 =	vsel vm7, $0x8FC, v29;
	v30 =	vsel vm7, $0x8FD, v30  }
0x22: {  	v31 =	vsel vm7, $0x8FE, v31;
	v32 =	vsel vm7, $0x8FF, v32;
	v33 =	vsel vm7, $0x880, v33  }
0x23: {  	v42 =	vsel vm2, v1, v0;
	v0 =	vimm.s32 $0x7C7B7A79;
	v2 =	vsel vm6, $0x173, v2  }
0x24: {  	v45 =	vsel vm2, v5, v4;
	v47 =	vsel vm2, v7, v6;
	v4 =	vimm.s32 $0x7A797877  }
0x25: {  	v48 =	vsel vm2, v10, v9;
	v35 =	vsel vm2, v11, v12;
	v37 =	vsel vm2, v14, v13  }
0x26: {  	v36 =	vsel vm2, v15, v3;
	v11 =	vimm.s32 $0x6050403;
	v13 =	vimm.s32 $0x32107654  }
0x27: {  	v44 =	vsel vm2, v6, v5;
	v40 =	vsel vm2, v12, v14;
	v5 =	vimm.s32 $0x6543A987  }
0x28: {  	v6 =	vimm.s32 $0xD0C0B0A;
	v14 =	vimm.s32 $0x78A;
	v15 =	vimm.s32 $0x78B  }
0x29: {  	v16 =	vsel vm6, $0x17F, v16;
	v17 =	vsel vm6, $0x100, v17;
	v18 =	vsel vm6, $0x101, v18  }
0x2a: {  	v19 =	vsel vm6, $0x973, v19;
	v20 =	vsel vm6, $0x974, v20;
	v21 =	vsel vm6, $0x975, v21  }
0x2b: {  	v22 =	vsel vm6, $0x976, v22;
	v23 =	vsel vm6, $0x977, v23;
	v24 =	vsel vm6, $0x978, v24  }
0x2c: {  	v25 =	vsel vm6, $0x979, v25;
	v26 =	vsel vm6, $0x97A, v26;
	v27 =	vsel vm6, $0x97B, v27  }
0x2d: {  	v28 =	vsel vm6, $0x97C, v28;
	v29 =	vsel vm6, $0x97D, v29;
	v30 =	vsel vm6, $0x97E, v30  }
0x2e: {  	v31 =	vsel vm6, $0x97F, v31;
	v32 =	vsel vm6, $0x900, v32;
	v33 =	vsel vm6, $0x901, v33  }
0x2f: {  	v0 =	vunpack.c.0.s8.s32 v0;
	v2 =	vsel vm5, $0x1F4, v2;
	v4 =	vunpack.c.0.s8.s32 v4  }
0x30: {  	v5 =	vunpack.c.l.s4.s8 v5;
	v6 =	vunpack.c.0.s8.s32 v6;
	v14 =	vsel vm4, $0x7B, v14  }
0x31: {  	v15 =	vsel vm4, $0x7C, v15;
	v16 =	vsel vm5, $0x180, v16;
	v17 =	vsel vm5, $0x181, v17  }
0x32: {  	v18 =	vsel vm5, $0x182, v18;
	v19 =	vsel vm5, $0x9F4, v19;
	v20 =	vsel vm5, $0x9F5, v20  }
0x33: {  	v21 =	vsel vm5, $0x9F6, v21;
	v22 =	vsel vm5, $0x9F7, v22;
	v23 =	vsel vm5, $0x9F8, v23  }
0x34: {  	v24 =	vsel vm5, $0x9F9, v24;
	v25 =	vsel vm5, $0x9FA, v25;
	v26 =	vsel vm5, $0x9FB, v26  }
0x35: {  	v27 =	vsel vm5, $0x9FC, v27;
	v28 =	vsel vm5, $0x9FD, v28;
	v29 =	vsel vm5, $0x9FE, v29  }
0x36: {  	v30 =	vsel vm5, $0x9FF, v30;
	v31 =	vsel vm5, $0x980, v31;
	v32 =	vsel vm5, $0x981, v32  }
0x37: {  	v33 =	vsel vm5, $0x982, v33;
	v35 =	vcombine.low v37, v35;
	v45 =	vcombine.low v45, v47  }
0x38: {  	v2 =	vsel vm3, $0x275, v2;
	v14 =	vsel vm7, $0xFC, v14;
	v15 =	vsel vm7, $0xFD, v15  }
0x39: {  	v16 =	vsel vm3, $0x201, v16;
	v17 =	vsel vm3, $0x202, v17;
	v18 =	vsel vm3, $0x203, v18  }
0x3a: {  	v19 =	vsel vm3, $0xA75, v19;
	v20 =	vsel vm3, $0xA76, v20;
	v21 =	vsel vm3, $0xA77, v21  }
0x3b: {  	v22 =	vsel vm3, $0xA78, v22;
	v23 =	vsel vm3, $0xA79, v23;
	v24 =	vsel vm3, $0xA7A, v24  }
0x3c: {  	v25 =	vsel vm3, $0xA7B, v25;
	v26 =	vsel vm3, $0xA7C, v26;
	v27 =	vsel vm3, $0xA7D, v27  }
0x3d: {  	v28 =	vsel vm3, $0xA7E, v28;
	v29 =	vsel vm3, $0xA7F, v29;
	v30 =	vsel vm3, $0xA00, v30  }
0x3e: {  	v31 =	vsel vm3, $0xA01, v31;
	v32 =	vsel vm3, $0xA02, v32;
	v33 =	vsel vm3, $0xA03, v33  }
0x3f: {  	v43 =	vsel vm2, v3, v0;
	v2 =	vsel vm1, $0x2F6, v2;
	v38 =	vsel vm2, v0, v1  }
0x40: {  	v0 =	vunpack.c.0.s8.s32 v11;
	v1 =	vunpack.c.l.s4.s8 v13;
	v49 =	vsel vm2, v9, v4  }
0x41: {  	v5 =	vunpack.c.0.s8.s32 v5;
	v9 =	vimm.s32 $0x785;
	v11 =	vimm.s32 $0x787  }
0x42: {  	v13 =	vimm.s32 $0x789;
	v14 =	vsel vm6, $0x17D, v14;
	v15 =	vsel vm6, $0x17E, v15  }
0x43: {  	v16 =	vsel vm1, $0x282, v16;
	v17 =	vsel vm1, $0x283, v17;
	v18 =	vsel vm1, $0x284, v18  }
0x44: {  	v19 =	vsel vm1, $0xAF6, v19;
	v20 =	vsel vm1, $0xAF7, v20;
	v21 =	vsel vm1, $0xAF8, v21  }
0x45: {  	v22 =	vsel vm1, $0xAF9, v22;
	v23 =	vsel vm1, $0xAFA, v23;
	v24 =	vsel vm1, $0xAFB, v24  }
0x46: {  	v25 =	vsel vm1, $0xAFC, v25;
	v26 =	vsel vm1, $0xAFD, v26;
	v27 =	vsel vm1, $0xAFE, v27  }
0x47: {  	v28 =	vsel vm1, $0xAFF, v28;
	v29 =	vsel vm1, $0xA80, v29;
	v30 =	vsel vm1, $0xA81, v30  }
0x48: {  	v31 =	vsel vm1, $0xA82, v31;
	v32 =	vsel vm1, $0xA83, v32;
	v33 =	vsel vm1, $0xA84, v33  }
0x49: {  	v8 =	vsel vm0, $0x377, v2;
	v2 =	vimm.s32 $0x76757473;
	v9 =	vsel vm4, $0x76, v9  }
0x4a: {  	v11 =	vsel vm4, $0x78, v11;
	v13 =	vsel vm4, $0x7A, v13;
	v14 =	vsel vm5, $0x1FE, v14  }
0x4b: {  	v15 =	vsel vm5, $0x1FF, v15;
	v16 =	vsel vm0, $0x303, v16;
	v17 =	vsel vm0, $0x304, v17  }
0x4c: {  	v18 =	vsel vm0, $0x305, v18;
	v19 =	vsel vm0, $0xB77, v19;
	v20 =	vsel vm0, $0xB78, v20  }
0x4d: {  	v21 =	vsel vm0, $0xB79, v21;
	v22 =	vsel vm0, $0xB7A, v22;
	v23 =	vsel vm0, $0xB7B, v23  }
0x4e: {  	v24 =	vsel vm0, $0xB7C, v24;
	v25 =	vsel vm0, $0xB7D, v25;
	v26 =	vsel vm0, $0xB7E, v26  }
0x4f: {  	v27 =	vsel vm0, $0xB7F, v27;
	v28 =	vsel vm0, $0xB00, v28;
	v29 =	vsel vm0, $0xB01, v29  }
0x50: {  	v30 =	vsel vm0, $0xB02, v30;
	v31 =	vsel vm0, $0xB03, v31;
	v32 =	vsel vm0, $0xB04, v32  }
0x51: {  	v33 =	vsel vm0, $0xB05, v33;
	v36 =	vcombine.low v38, v36;
	v42 =	vcombine.low v42, v43  }
0x52: {  	v2 =	vunpack.c.0.s8.s32 v2;
	v39 =	vsel vm2, v0, v10;
	v0 =	vunpack.c.0.s8.s32 v1  }
0x53: {  	v5 =	vand.u32 $0xF, v5;
	v9 =	vsel vm7, $0xF7, v9;
	v11 =	vsel vm7, $0xF9, v11  }
0x54: {  	v13 =	vsel vm7, $0xFB, v13;
	v14 =	vsel vm3, $0x27F, v14;
	v15 =	vsel vm3, $0x200, v15  }
0x55: {  	v16 =	vsel vm15, $0x384, v16;
	v17 =	vsel vm15, $0x385, v17;
	v18 =	vsel vm15, $0x386, v18  }
0x56: {  	v19 =	vsel vm15, $0xBF8, v19;
	v20 =	vsel vm15, $0xBF9, v20;
	v21 =	vsel vm15, $0xBFA, v21  }
0x57: {  	v22 =	vsel vm15, $0xBFB, v22;
	v23 =	vsel vm15, $0xBFC, v23;
	v24 =	vsel vm15, $0xBFD, v24  }
0x58: {  	v25 =	vsel vm15, $0xBFE, v25;
	v26 =	vsel vm15, $0xBFF, v26;
	v27 =	vsel vm15, $0xB80, v27  }
0x59: {  	v28 =	vsel vm15, $0xB81, v28;
	v29 =	vsel vm15, $0xB82, v29;
	v30 =	vsel vm15, $0xB83, v30  }
0x5a: {  	v31 =	vsel vm15, $0xB84, v31;
	v32 =	vsel vm15, $0xB85, v32;
	v33 =	vsel vm15, $0xB86, v33  }
0x5b: {  	v5 =	vsel vm13, v5, v10;
	v10 =	vimm.s32 $0x786;
	v9 =	vsel vm6, $0x178, v9  }
0x5c: {  	v11 =	vsel vm6, $0x17A, v11;
	v13 =	vsel vm6, $0x17C, v13;
	v14 =	vsel vm1, $0x280, v14  }
0x5d: {  	v15 =	vsel vm1, $0x281, v15;
	v16 =	vsel vm9, $0x405, v16;
	v17 =	vsel vm9, $0x406, v17  }
0x5e: {  	v18 =	vsel vm9, $0x407, v18;
	v19 =	vsel vm9, $0xC79, v19;
	v20 =	vsel vm9, $0xC7A, v20  }
0x5f: {  	v21 =	vsel vm9, $0xC7B, v21;
	v22 =	vsel vm9, $0xC7C, v22;
	v23 =	vsel vm9, $0xC7D, v23  }
0x60: {  	v24 =	vsel vm9, $0xC7E, v24;
	v25 =	vsel vm9, $0xC7F, v25;
	v26 =	vsel vm9, $0xC00, v26  }
0x61: {  	v27 =	vsel vm9, $0xC01, v27;
	v28 =	vsel vm9, $0xC02, v28;
	v29 =	vsel vm9, $0xC03, v29  }
0x62: {  	v30 =	vsel vm9, $0xC04, v30;
	v31 =	vsel vm9, $0xC05, v31;
	v32 =	vsel vm9, $0xC06, v32  }
0x63: {  	v33 =	vsel vm9, $0xC07, v33;
	v38 =	vcombine.low v49, v39;
	v46 =	vsel vm2, v4, v2  }
0x64: {  	v2 =	vimm.s32 $0x5040302;
	v0 =	vand.u32 $0xF, v0;
	v4 =	vimm.s32 $0xB0A0908  }
0x65: {  	v10 =	vsel vm4, $0x77, v10;
	v9 =	vsel vm5, $0x1F9, v9;
	v11 =	vsel vm5, $0x1FB, v11  }
0x66: {  	v13 =	vsel vm5, $0x1FD, v13;
	v14 =	vsel vm0, $0x301, v14;
	v15 =	vsel vm0, $0x302, v15  }
0x67: {  	v16 =	vsel vm10, $0x486, v16;
	v17 =	vsel vm10, $0x487, v17;
	v18 =	vsel vm10, $0x488, v18  }
0x68: {  	v19 =	vsel vm10, $0xCFA, v19;
	v20 =	vsel vm10, $0xCFB, v20;
	v21 =	vsel vm10, $0xCFC, v21  }
0x69: {  	v22 =	vsel vm10, $0xCFD, v22;
	v23 =	vsel vm10, $0xCFE, v23;
	v24 =	vsel vm10, $0xCFF, v24  }
0x6a: {  	v25 =	vsel vm10, $0xC80, v25;
	v26 =	vsel vm10, $0xC81, v26;
	v27 =	vsel vm10, $0xC82, v27  }
0x6b: {  	v28 =	vsel vm10, $0xC83, v28;
	v29 =	vsel vm10, $0xC84, v29;
	v30 =	vsel vm10, $0xC85, v30  }
0x6c: {  	v31 =	vsel vm10, $0xC86, v31;
	v32 =	vsel vm10, $0xC87, v32;
	v33 =	vsel vm10, $0xC88, v33  }
0x6d: {  	v2 =	vunpack.c.0.s8.s32 v2;
	v0 =	vsel vm13, v0, v12;
	v4 =	vunpack.c.0.s8.s32 v4  }
0x6e: {  	v12 =	vimm.s32 $0x788;
	v10 =	vsel vm7, $0xF8, v10;
	v9 =	vsel vm3, $0x27A, v9  }
0x6f: {  	v11 =	vsel vm3, $0x27C, v11;
	v13 =	vsel vm3, $0x27E, v13;
	v14 =	vsel vm15, $0x382, v14  }
0x70: {  	v15 =	vsel vm15, $0x383, v15;
	v16 =	vsel vm11, $0x507, v16;
	v17 =	vsel vm11, $0x508, v17  }
0x71: {  	v18 =	vsel vm11, $0x509, v18;
	v19 =	vsel vm11, $0xD7B, v19;
	v20 =	vsel vm11, $0xD7C, v20  }
0x72: {  	v21 =	vsel vm11, $0xD7D, v21;
	v22 =	vsel vm11, $0xD7E, v22;
	v23 =	vsel vm11, $0xD7F, v23  }
0x73: {  	v24 =	vsel vm11, $0xD00, v24;
	v25 =	vsel vm11, $0xD01, v25;
	v26 =	vsel vm11, $0xD02, v26  }
0x74: {  	v27 =	vsel vm11, $0xD03, v27;
	v28 =	vsel vm11, $0xD04, v28;
	v29 =	vsel vm11, $0xD05, v29  }
0x75: {  	v30 =	vsel vm11, $0xD06, v30;
	v31 =	vsel vm11, $0xD07, v31;
	v32 =	vsel vm11, $0xD08, v32  }
0x76: {  	v33 =	vsel vm11, $0xD09, v33;
	v46 =	vcombine.low v46, v48;
	v12 =	vsel vm4, $0x79, v12  }
0x77: {  	v10 =	vsel vm6, $0x179, v10;
	v9 =	vsel vm1, $0x2FB, v9;
	v11 =	vsel vm1, $0x2FD, v11  }
0x78: {  	v13 =	vsel vm1, $0x2FF, v13;
	v14 =	vsel vm9, $0x403, v14;
	v15 =	vsel vm9, $0x404, v15  }
0x79: {  	v16 =	vsel vm12, $0x588, v16;
	v17 =	vsel vm12, $0x589, v17;
	v18 =	vsel vm12, $0x58A, v18  }
0x7a: {  	v19 =	vsel vm12, $0xDFC, v19;
	v20 =	vsel vm12, $0xDFD, v20;
	v21 =	vsel vm12, $0xDFE, v21  }
0x7b: {  	v22 =	vsel vm12, $0xDFF, v22;
	v23 =	vsel vm12, $0xD80, v23;
	v24 =	vsel vm12, $0xD81, v24  }
0x7c: {  	v25 =	vsel vm12, $0xD82, v25;
	v26 =	vsel vm12, $0xD83, v26;
	v27 =	vsel vm12, $0xD84, v27  }
0x7d: {  	v28 =	vsel vm12, $0xD85, v28;
	v29 =	vsel vm12, $0xD86, v29;
	v30 =	vsel vm12, $0xD87, v30  }
0x7e: {  	v31 =	vsel vm12, $0xD88, v31;
	v32 =	vsel vm12, $0xD89, v32;
	v33 =	vsel vm12, $0xD8A, v33  }
0x7f: {  	v41 =	vsel vm2, v2, v7;
	v2 =	vimm.s32 $0x43218765;
	v0 =	vsel vm14, v4, v0  }
0x80: {  	v4 =	vimm.s32 $0x781;
	v12 =	vsel vm7, $0xFA, v12;
	v10 =	vsel vm5, $0x1FA, v10  }
0x81: {  	v9 =	vsel vm0, $0x37C, v9;
	v11 =	vsel vm0, $0x37E, v11;
	v13 =	vsel vm0, $0x300, v13  }
0x82: {  	v14 =	vsel vm10, $0x484, v14;
	v15 =	vsel vm10, $0x485, v15;
	v1 =	vunpack.c.l.s4.s8 v2  }
0x83: {  	v2 =	vimm.s32 $0x54329876;
	v4 =	vsel vm4, $0x72, v4;
	v12 =	vsel vm6, $0x17B, v12  }
0x84: {  	v10 =	vsel vm3, $0x27B, v10;
	v9 =	vsel vm15, $0x3FD, v9;
	v11 =	vsel vm15, $0x3FF, v11  }
0x85: {  	v13 =	vsel vm15, $0x381, v13;
	v14 =	vsel vm11, $0x505, v14;
	v15 =	vsel vm11, $0x506, v15  }
0x86: {  	v37 =	vcombine.low v44, v41;
	v2 =	vunpack.c.l.s4.s8 v2;
	v4 =	vsel vm7, $0xF3, v4  }
0x87: {  	v12 =	vsel vm5, $0x1FC, v12;
	v10 =	vsel vm1, $0x2FC, v10;
	v9 =	vsel vm9, $0x47E, v9  }
0x88: {  	v11 =	vsel vm9, $0x400, v11;
	v13 =	vsel vm9, $0x402, v13;
	v14 =	vsel vm12, $0x586, v14  }
0x89: {  	v15 =	vsel vm12, $0x587, v15;
	v1 =	vunpack.c.0.s8.s32 v1;
	v4 =	vsel vm6, $0x174, v4  }
0x8a: {  	v12 =	vsel vm3, $0x27D, v12;
	v10 =	vsel vm0, $0x37D, v10;
	v9 =	vsel vm10, $0x4FF, v9  }
0x8b: {  	v11 =	vsel vm10, $0x481, v11;
	v13 =	vsel vm10, $0x483, v13;
	v2 =	vunpack.c.0.s8.s32 v2  }
0x8c: {  	v4 =	vsel vm5, $0x1F5, v4;
	v12 =	vsel vm1, $0x2FE, v12;
	v10 =	vsel vm15, $0x3FE, v10  }
0x8d: {  	v9 =	vsel vm11, $0x500, v9;
	v11 =	vsel vm11, $0x502, v11;
	v13 =	vsel vm11, $0x504, v13  }
0x8e: {  	v1 =	vand.u32 $0xF, v1;
	v4 =	vsel vm3, $0x276, v4;
	v12 =	vsel vm0, $0x37F, v12  }
0x8f: {  	v10 =	vsel vm9, $0x47F, v10;
	v9 =	vsel vm12, $0x581, v9;
	v11 =	vsel vm12, $0x583, v11  }
0x90: {  	v13 =	vsel vm12, $0x585, v13;
	v1 =	vsel vm13, v1, v3;
	v3 =	vimm.s32 $0xC0B0A09  }
0x91: {  	v2 =	vand.u32 $0xF, v2;
	v4 =	vsel vm1, $0x2F7, v4;
	v12 =	vsel vm15, $0x380, v12  }
0x92: {  	v10 =	vsel vm10, $0x480, v10;
	v3 =	vunpack.c.0.s8.s32 v3;
	v2 =	vsel vm13, v2, v7  }
0x93: {  	v7 =	vimm.s32 $0xE0D0C0B;
	v4 =	vsel vm0, $0x378, v4;
	v12 =	vsel vm9, $0x401, v12  }
0x94: {  	vm13 =	vcmask $0x3330;
	v10 =	vsel vm11, $0x501, v10;
	v7 =	vunpack.c.0.s8.s32 v7  }
0x95: {  	v2 =	vsel vm14, v6, v2;
	v6 =	vimm.s32 $0x782;
	v4 =	vsel vm15, $0x3F9, v4  }
0x96: {  	v12 =	vsel vm10, $0x482, v12;
	v10 =	vsel vm12, $0x582, v10;
	v9 =	vsel vm13, $0x602, v9  }
0x97: {  	v11 =	vsel vm13, $0x604, v11;
	v13 =	vsel vm13, $0x606, v13;
	v14 =	vsel vm13, $0x607, v14  }
0x98: {  	v15 =	vsel vm13, $0x608, v15;
	v16 =	vsel vm13, $0x609, v16;
	v17 =	vsel vm13, $0x60A, v17  }
0x99: {  	v18 =	vsel vm13, $0x60B, v18;
	v19 =	vsel vm13, $0xE7D, v19;
	v20 =	vsel vm13, $0xE7E, v20  }
0x9a: {  	v21 =	vsel vm13, $0xE7F, v21;
	v22 =	vsel vm13, $0xE00, v22;
	v23 =	vsel vm13, $0xE01, v23  }
0x9b: {  	v24 =	vsel vm13, $0xE02, v24;
	v25 =	vsel vm13, $0xE03, v25;
	v26 =	vsel vm13, $0xE04, v26  }
0x9c: {  	v27 =	vsel vm13, $0xE05, v27;
	v28 =	vsel vm13, $0xE06, v28;
	v29 =	vsel vm13, $0xE07, v29  }
0x9d: {  	v30 =	vsel vm13, $0xE08, v30;
	v31 =	vsel vm13, $0xE09, v31;
	v32 =	vsel vm13, $0xE0A, v32  }
0x9e: {  	[tilespmem:$0x1FEE0] =	vst v0;
	v33 =	vsel vm13, $0xE0B, v33;
	v0 =	vsel vm14, v3, v1;
	v6 =	vsel vm4, $0x73, v6  }
0x9f: {  	v4 =	vsel vm9, $0x47A, v4;
	v12 =	vsel vm11, $0x503, v12;
	v10 =	vsel vm13, $0x603, v10  }
0xa0: {  	v3 =	vsel vm14, v7, v5;
	v5 =	vsel vm15, $0x3F8, v8;
	v7 =	vimm.s32 $0x783  }
0xa1: {  	v8 =	vimm.s32 $0x784;
	v6 =	vsel vm7, $0xF4, v6;
	v4 =	vsel vm10, $0x4FB, v4  }
0xa2: {  	vm14 =	vcmask $0x3734;
	v12 =	vsel vm12, $0x584, v12;
	v7 =	vsel vm4, $0x74, v7  }
0xa3: {  	v8 =	vsel vm4, $0x75, v8;
	v5 =	vsel vm9, $0x479, v5;
	v6 =	vsel vm6, $0x175, v6  }
0xa4: {  	v4 =	vsel vm11, $0x57C, v4;
	v12 =	vsel vm13, $0x605, v12;
	v9 =	vsel vm14, $0x683, v9  }
0xa5: {  	v10 =	vsel vm14, $0x684, v10;
	v11 =	vsel vm14, $0x685, v11;
	v13 =	vsel vm14, $0x687, v13  }
0xa6: {  	v14 =	vsel vm14, $0x688, v14;
	v15 =	vsel vm14, $0x689, v15;
	v16 =	vsel vm14, $0x68A, v16  }
0xa7: {  	v17 =	vsel vm14, $0x68B, v17;
	v18 =	vsel vm14, $0x68C, v18;
	v19 =	vsel vm14, $0xEFE, v19  }
0xa8: {  	v20 =	vsel vm14, $0xEFF, v20;
	v21 =	vsel vm14, $0xE80, v21;
	v22 =	vsel vm14, $0xE81, v22  }
0xa9: {  	v23 =	vsel vm14, $0xE82, v23;
	v24 =	vsel vm14, $0xE83, v24;
	v25 =	vsel vm14, $0xE84, v25  }
0xaa: {  	v26 =	vsel vm14, $0xE85, v26;
	v27 =	vsel vm14, $0xE86, v27;
	v28 =	vsel vm14, $0xE87, v28  }
0xab: {  	v29 =	vsel vm14, $0xE88, v29;
	v30 =	vsel vm14, $0xE89, v30;
	v31 =	vsel vm14, $0xE8A, v31  }
0xac: {  	v32 =	vsel vm14, $0xE8B, v32;
	v33 =	vsel vm14, $0xE8C, v33;
	v7 =	vsel vm7, $0xF5, v7  }
0xad: {  	v8 =	vsel vm7, $0xF6, v8;
	v6 =	vsel vm5, $0x1F6, v6;
	v5 =	vsel vm10, $0x4FA, v5  }
0xae: {  	v4 =	vsel vm12, $0x5FD, v4;
	v12 =	vsel vm14, $0x686, v12;
	v7 =	vsel vm6, $0x176, v7  }
0xaf: {  	v8 =	vsel vm6, $0x177, v8;
	v6 =	vsel vm3, $0x277, v6;
	v5 =	vsel vm11, $0x57B, v5  }
0xb0: {  	v4 =	vsel vm13, $0x67E, v4;
	v7 =	vsel vm5, $0x1F7, v7;
	v8 =	vsel vm5, $0x1F8, v8  }
0xb1: {  	v6 =	vsel vm1, $0x2F8, v6;
	v5 =	vsel vm12, $0x5FC, v5;
	v34 =	vsel vm14, $0x6FF, v4  }
0xb2: {  	v7 =	vsel vm3, $0x278, v7;
	v8 =	vsel vm3, $0x279, v8;
	v6 =	vsel vm0, $0x379, v6  }
0xb3: {  	v5 =	vsel vm13, $0x67D, v5;
	v7 =	vsel vm1, $0x2F9, v7;
	v8 =	vsel vm1, $0x2FA, v8  }
0xb4: {  	v6 =	vsel vm15, $0x3FA, v6;
	v5 =	vsel vm14, $0x6FE, v5;
	v7 =	vsel vm0, $0x37A, v7  }
0xb5: {  	v8 =	vsel vm0, $0x37B, v8;
	v6 =	vsel vm9, $0x47B, v6;
	v7 =	vsel vm15, $0x3FB, v7  }
0xb6: {  	v8 =	vsel vm15, $0x3FC, v8;
	v6 =	vsel vm10, $0x4FC, v6;
	vm15 =	vcmask $0x3B38  }
0xb7: {  	v7 =	vsel vm9, $0x47C, v7;
	v8 =	vsel vm9, $0x47D, v8;
	v6 =	vsel vm11, $0x57D, v6  }
0xb8: {  	v4 =	vsel vm15, $0x77F, v5;
	v5 =	vsel vm15, $0x700, v34;
	v9 =	vsel vm15, $0x704, v9  }
0xb9: {  	v10 =	vsel vm15, $0x705, v10;
	v11 =	vsel vm15, $0x706, v11;
	v12 =	vsel vm15, $0x707, v12  }
0xba: {  	[tilespmem:$0x1FEF0] =	vst v0;
	v13 =	vsel vm15, $0x708, v13;
	v14 =	vsel vm15, $0x709, v14;
	v0 =	vsel vm15, $0xF7F, v19  }
0xbb: {  	v15 =	vsel vm15, $0x70A, v15;
	v16 =	vsel vm15, $0x70B, v16;
	[tilespmem:$0x1FF00] =	vst v0;
	v0 =	vsel vm15, $0xF00, v20  }
0xbc: {  	v17 =	vsel vm15, $0x70C, v17;
	v18 =	vsel vm15, $0x70D, v18;
	[tilespmem:$0x1FF10] =	vst v0;
	v0 =	vsel vm15, $0xF01, v21  }
0xbd: {  	s0 =	rddreg [dreg:$0x0];
	v19 =	vimm.s32 $0x76543210;
	v7 =	vsel vm10, $0x4FD, v7;
	[tilespmem:$0x1FF20] =	vst v0;
	v0 =	vsel vm15, $0xF02, v22  }
0xbe: {  	s2 =	rddreg [dreg:$0x1];
	v8 =	vsel vm10, $0x4FE, v8;
	v6 =	vsel vm12, $0x5FE, v6;
	[tilespmem:$0x1FF30] =	vst v0;
	v0 =	vsel vm15, $0xF03, v23  }
0xbf: {  	s1 =	rddreg [dreg:$0x2];
	v19 =	vunpack.c.l.s4.s8 v19;
	v20 =	vimm.s32 $0x87654321;
	[tilespmem:$0x1FF40] =	vst v0;
	v0 =	vsel vm15, $0xF04, v24  }
0xc0: {  	s4 =	srdreg.scid;
	s6 =	stileid.u32;
	s3 =	simm.s32 $0x0;
	v7 =	vsel vm11, $0x57E, v7;
	v8 =	vsel vm11, $0x57F, v8;
	[tilespmem:$0x1FF50] =	vst v0;
	v0 =	vsel vm15, $0xF05, v25  }
0xc1: {  	s13 =	simm.s32 $0x1;
	s14 =	simm.s32 $0x2;
	s15 =	simm.s32 $0x3F80;
	v6 =	vsel vm13, $0x67F, v6;
	v20 =	vunpack.c.l.s4.s8 v20;
	[tilespmem:$0x1FF60] =	vst v0;
	v0 =	vsel vm15, $0xF06, v26  }
0xc2: {  	s17 =	simm.s32 $0x4;
	s5 =	sand.u32 $0x1, s4;
	s24 =	sshll.u32 s6, $0x1;
	v21 =	vunpack.c.l.s4.s8 v62;
	v7 =	vsel vm12, $0x5FF, v7;
	[tilespmem:$0x1FF70] =	vst v0;
	v0 =	vsel vm15, $0xF07, v27  }
0xc3: {  	s19 =	simm.s32 $0x5;
	[smem:$0x7FF] =	sst s3;
	s16 =	sor.u32 s5, s24;
	v8 =	vsel vm12, $0x580, v8;
	v6 =	vsel vm14, $0x680, v6;
	[tilespmem:$0x1FF80] =	vst v0;
	v0 =	vsel vm15, $0xF08, v28  }
0xc4: {  	s20 =	simm.s32 $0x0;
	s31 =	sadd.s32 $0x186800, s1;
	s25 =	smul.u32 $0xC00, s16;
	v19 =	vunpack.c.0.s8.s32 v19;
	v7 =	vsel vm13, $0x600, v7;
	[tilespmem:$0x1FF90] =	vst v0;
	v0 =	vsel vm15, $0xF09, v29  }
0xc5: {  	s2 =	sadd.s32 $0x400, s2;
	s26 =	ssub.s32 $0x2, s5;
	s5 =	smul.u32 $0xC80, s16;
	v8 =	vsel vm13, $0x601, v8;
	v6 =	vsel vm15, $0x701, v6;
	[tilespmem:$0x1FFA0] =	vst v0;
	v0 =	vsel vm15, $0xF0A, v30  }
0xc6: {  	s7 =	sshrl.u32 s26, $0x1;
	p0 =	slt.u32 s16, $0xD;
	s8 =	sadd.s32 $0x680, s25;
	v20 =	vunpack.c.0.s8.s32 v20;
	v21 =	vunpack.c.0.s8.s32 v21;
	[tilespmem:$0x1FFB0] =	vst v0;
	v0 =	vsel vm15, $0xF0B, v31  }
0xc7: {  	p1 =	sne.s32 s16, $0x1F;
	s28 =	sshrl.u32 s5, $0x3;
	s8 =	smov.u32 @p0 s5;
	v7 =	vsel vm14, $0x681, v7;
	v40 =	vcombine.low v40, v19;
	[tilespmem:$0x1FFC0] =	vst v0;
	v0 =	vsel vm15, $0xF0C, v32  }
0xc8: {  	s5 =	simm.s32 $0x19;
	s9 =	sadd.s32 s0, s28;
	s29 =	sshrl.u32 s8, $0x3;
	v19 =	vunpack.c.l.s4.s8 v63;
	v20 =	vand.u32 $0xF, v20;
	[tilespmem:$0x1FFD0] =	vst v0;
	v0 =	vsel vm15, $0xF0D, v33  }
.Ltmp0:
0xc9: {  	s5 =	simm.s32 @!p0 $0x18;
	s8 =	sshll.u32 s8, $0x7;
	v8 =	vsel vm14, $0x682, v8;
	v43 =	vcombine.low v43, v20;
	[tilespmem:$0x1FFE0] =	vst v0;
	v0 =	vlaneseq.u32;
	(pc) =	sbr.rel .LBB2_1-.Ltmp0, $4  }
0xca: {  	s30 =	sadd.s32 s0, s29;
	v19 =	vunpack.c.0.s8.s32 v19;
	v20 =	vand.u32 $0xF, v21;
	_ =	strace $0x80000047;
	[dreg:$0x4] =	wrdreg s2;
	v39 =	vmul.u32 $0x81, v0  }
0xcb: {  	p0 =	sgt.u32 s16, $0xC;
	s0 =	sadd.s32 $0x30D0, s0;
	v7 =	vsel vm15, $0x702, v7;
	v8 =	vsel vm15, $0x703, v8;
	v47 =	vcombine.low v47, v20;
	[dreg:$0x5] =	wrdreg s30  }
0xcc: {  	s16 =	simm.s32 $0x3;
	v19 =	vand.u32 $0xF, v19;
	s2 =	ssub.s32 s26, s7;
	[dreg:$0x6] =	wrdreg s0;
	v41 =	vor.u32 $0x70, v0;
	v0 =	vadd.s32 $0x870, v39  }
0xcd: {  	v48 =	vcombine.low v48, v19;
	s7 =	sadd.s32 $0x180, s9;
	[dreg:$0x7] =	wrdreg s31;
	s11 =	smax.u32 s2, $0x1;
	v44 =	vadd.s32 $0x70, v39;
	v49 =	vor.u32 $0x800, v39;
	[tilespmem:$0x1FFF0] =	vst v0  }
.LBB2_13:
0xce: {  	s20 =	sadd.s32 $0x1, s20  }
0xcf: {  	p2 =	sne.s32 s20, s11  }
.Ltmp1:
0xd0: {  	_ = 	snop;
	(pc) =	sbr.rel @!p2 .LBB2_14-.Ltmp1, $1  }
0xd1: {  	_ =	sdelay $0x3  }
.LBB2_1:
0xd2: {  	s0 =	rddreg [dreg:$0x4]  }
0xd3: {  	[tilespmem:s3], [sflag:$0x1] =	stream.linear.gather [hbm4b:s0+s3], $0x3280, $0x38;
	[tilespmem:$0x13F80] =	vst v63  }
0xd4: {  	s31 =	rddreg [dreg:$0x5];
	s2 =	simm.s32 $0x3280  }
0xd5: {  	[tilespmem:s2], [sflag:$0x2] =	stream.linear.gather [hbm4b:s31+s3], $0xC00, $0x38;
	[tilespmem:$0x13F80] =	vst v63  }
0xd6: {  	s0 =	simm.s32 @!p0 $0x0;
	s2 =	simm.s32 @!p0 $0x3E80  }
0xd7: {  	[tilespmem:s2], [sflag:$0x5] =	stream.linear.gather @!p0 [hbm4b:s7+s0], $0x80, $0x38;
	[tilespmem:$0x13F80] =	vst v63  }
0xd8: {  	s0 =	simm.s32 @!p0 $0x5  }
0xd9: {  	_ =	swait.ge @!p0 [sflag:s0], $0x80  }
0xda: {  	[sflag:s0] =	ssyncset.done @!p0 $0x0  }
0xdb: {  	[sflag:s0] =	ssyncadd.s32 @!p0 $0xFFFFFF80  }
0xdc: {  	_ =	swait.ge [sflag:s13], $0x3280  }
0xdd: {  	[sflag:s13] =	ssyncset.done $0x0  }
0xde: {  	[sflag:s13] =	ssyncadd.s32 $0xFFFFCD80  }
0xdf: {  	_ =	swait.ge [sflag:s14], $0xC00  }
0xe0: {  	[sflag:s14] =	ssyncset.done $0x0  }
0xe1: {  	s21 =	simm.s32 $0x0;
	[sflag:s14] =	ssyncadd.s32 $0xFFFFF400  }
.LBB2_2:
0xe2: {  	s22 =	sand.u32 $0x3, s21;
	p2 =	slt.u32 s21, $0x4  }
0xe3: {  	s2 =	sshll.u32 s21, $0x9;
	s0 =	sadd.s32 @!p2 $0x1, s22  }
0xe4: {  	s2 =	sshra.s32 s2, $0x2;
	_ =	swait.ge @!p2 [sflag:s0], $0x4000  }
0xe5: {  	s24 =	simm.s32 $0x0;
	s31 =	sadd.s32 $0x3280, s2;
	[sflag:s0] =	ssyncset.done @!p2 $0x0  }
0xe6: {  	s25 =	simm.s32 $0x0;
	s23 =	sshll.u32 s22, $0xE;
	v51 =	vmov s31;
	[sflag:s0] =	ssyncadd.s32 @!p2 $0xFFFFC000  }
.LBB2_3:
0xe7: {  	_ =	sdelay $0x1  }
0xe8: {  	s0 =	sshll.u32 s25, $0x4  }
0xe9: {  	s0 =	sand.u32 $0x3FFFFFF0, s0  }
0xea: {  	v19 =	vld.idx.msk [tilespmem:v51+s0+$0x0 ss:$0x1], $0xffff;
	_ =	sdelay $0x4  }
0xeb: {  	v0 =	vlaneseq.u32;
	v52 =	vshll.u32 v19, $0x7  }
0xec: {  	v55 =	vor.u32 v0, v52  }
0xed: {  	s6 =	simm.s32 $0xF;
	v19 =	vor.u32 s24, v55  }
0xee: {  	s2 =	simm.s32 $0xE;
	v20 =	vadd.s32 s6, v55  }
0xef: {  	s18 =	simm.s32 $0xD;
	v21 =	vadd.s32 s2, v55  }
0xf0: {  	s26 =	sshll.u32 s25, $0xB;
	s31 =	simm.s32 $0xC;
	v22 =	vadd.s32 s18, v55  }
0xf1: {  	s12 =	simm.s32 $0xB;
	s26 =	sadd.s32 s23, s26;
	v23 =	vadd.s32 s31, v55  }
0xf2: {  	s9 =	simm.s32 $0xA;
	v54 =	vor.u32 s26, v39;
	v24 =	vadd.s32 s12, v55;
	v19 =	vld.idx.msk [tilespmem:v19+s3+$0x0], $0xffff  }
0xf3: {  	s10 =	simm.s32 $0x9;
	v25 =	vor.u32 s24, v54;
	v26 =	vadd.s32 s9, v55;
	v60 =	vld.idx.msk [tilespmem:v20+s3+$0x0], $0xffff  }
0xf4: {  	s4 =	simm.s32 $0x8;
	v61 =	vadd.s32 s6, v54;
	v59 =	vadd.s32 s10, v55;
	v27 =	vld.idx.msk [tilespmem:v21+s3+$0x0], $0xffff  }
0xf5: {  	s28 =	simm.s32 $0x7;
	v28 =	vadd.s32 s2, v54;
	v29 =	vadd.s32 s4, v55;
	v30 =	vld.idx.msk [tilespmem:v22+s3+$0x0], $0xffff  }
0xf6: {  	s29 =	simm.s32 $0x6;
	v31 =	vadd.s32 s18, v54;
	v32 =	vadd.s32 s28, v55;
	v56 =	vld.idx.msk [tilespmem:v23+s3+$0x0], $0xffff  }
0xf7: {  	s30 =	simm.s32 $0x5;
	v53 =	vmov s26;
	v62 =	vadd.s32 s29, v55;
	v57 =	vld.idx.msk [tilespmem:v24+s3+$0x0], $0xffff;
	v20 =	vadd.s32 s31, v54  }
0xf8: {  	v63 =	vadd.s32 s30, v55;
	s31 =	simm.s32 $0x4;
	v58 =	vld.idx.msk [tilespmem:v26+s3+$0x0], $0xffff;
	v22 =	vadd.s32 s12, v54;
	[tilespmem:v25+s15+$0x0] =	vst.idx.msk $0xffff, v19  }
0xf9: {  	s0 =	simm.s32 $0x3;
	v59 =	vld.idx.msk [tilespmem:v59+s3+$0x0], $0xffff;
	v23 =	vadd.s32 s9, v54;
	v19 =	vadd.s32 s31, v55;
	[tilespmem:v61+s15+$0x0] =	vst.idx.msk $0xffff, v60  }
0xfa: {  	s2 =	simm.s32 $0x2;
	v21 =	vadd.s32 s0, v55;
	v60 =	vld.idx.msk [tilespmem:v29+s3+$0x0], $0xffff;
	v25 =	vadd.s32 s10, v54;
	[tilespmem:v28+s15+$0x0] =	vst.idx.msk $0xffff, v27  }
0xfb: {  	s26 =	simm.s32 $0x10;
	s18 =	simm.s32 $0x1;
	v24 =	vadd.s32 s2, v55;
	v26 =	vadd.s32 s4, v54;
	v61 =	vld.idx.msk [tilespmem:v32+s3+$0x0], $0xffff;
	[tilespmem:v31+s15+$0x0] =	vst.idx.msk $0xffff, v30  }
.LBB2_4:
0xfc: {  	p2 =	slt.u32 s26, $0x60;
	v27 =	vadd.s32 s18, v55;
	v28 =	vld.idx.msk [tilespmem:v62+s3+$0x0], $0xffff;
	v29 =	vadd.s32 s28, v54;
	[tilespmem:v20+s15+$0x0] =	vst.idx.msk $0xffff, v56  }
0xfd: {  	v20 =	vor.u32 s26, v55;
	s4 =	sadd.s32 $0xF, s26;
	v31 =	vadd.s32 s29, v54;
	v30 =	vld.idx.msk [tilespmem:v63+s3+$0x0], $0xffff;
	[tilespmem:v22+s15+$0x0] =	vst.idx.msk $0xffff, v57  }
0xfe: {  	s9 =	sadd.s32 $0xE, s26;
	v32 =	vadd.s32 s30, v54;
	v22 =	vadd.s32 s4, v55;
	v19 =	vld.idx.msk [tilespmem:v19+s3+$0x0], $0xffff;
	[tilespmem:v23+s15+$0x0] =	vst.idx.msk $0xffff, v58  }
0xff: {  	s10 =	sadd.s32 $0xD, s26;
	v56 =	vadd.s32 s31, v54;
	v23 =	vadd.s32 s9, v55;
	v21 =	vld.idx.msk [tilespmem:v21+s3+$0x0], $0xffff;
	[tilespmem:v25+s15+$0x0] =	vst.idx.msk $0xffff, v59  }
0x100: {  	s12 =	sadd.s32 $0xC, s26;
	v57 =	vadd.s32 s0, v54;
	v25 =	vadd.s32 s10, v55;
	v24 =	vld.idx.msk [tilespmem:v24+s3+$0x0], $0xffff;
	[tilespmem:v26+s15+$0x0] =	vst.idx.msk $0xffff, v60  }
0x101: {  	s0 =	sadd.s32 $0xB, s26;
	v58 =	vadd.s32 s2, v54;
	v26 =	vadd.s32 s12, v55;
	v27 =	vld.idx.msk [tilespmem:v27+s3+$0x0], $0xffff;
	[tilespmem:v29+s15+$0x0] =	vst.idx.msk $0xffff, v61  }
0x102: {  	s2 =	sadd.s32 $0xA, s26;
	v59 =	vadd.s32 s18, v54;
	v29 =	vld.idx.msk [tilespmem:v20+s3+$0x0], $0xffff;
	v20 =	vadd.s32 s0, v55;
	[tilespmem:v31+s15+$0x0] =	vst.idx.msk $0xffff, v28  }
0x103: {  	s18 =	sadd.s32 $0x9, s26;
	v28 =	vor.u32 s26, v54;
	v31 =	vadd.s32 s2, v55;
	v60 =	vld.idx.msk [tilespmem:v22+s3+$0x0], $0xffff;
	[tilespmem:v32+s15+$0x0] =	vst.idx.msk $0xffff, v30  }
0x104: {  	s6 =	sadd.s32 $0x8, s26;
	v61 =	vadd.s32 s4, v54;
	v30 =	vadd.s32 s18, v55;
	v32 =	vld.idx.msk [tilespmem:v23+s3+$0x0], $0xffff;
	[tilespmem:v56+s15+$0x0] =	vst.idx.msk $0xffff, v19  }
0x105: {  	s28 =	sadd.s32 $0x7, s26;
	v33 =	vadd.s32 s6, v55;
	v34 =	vadd.s32 s9, v54;
	v50 =	vld.idx.msk [tilespmem:v25+s3+$0x0], $0xffff;
	[tilespmem:v57+s15+$0x0] =	vst.idx.msk $0xffff, v21  }
0x106: {  	s29 =	sadd.s32 $0x6, s26;
	v0 =	vadd.s32 s28, v55;
	v1 =	vadd.s32 s10, v54;
	v56 =	vld.idx.msk [tilespmem:v26+s3+$0x0], $0xffff;
	[tilespmem:v58+s15+$0x0] =	vst.idx.msk $0xffff, v24  }
.Ltmp2:
0x107: {  	s30 =	sadd.s32 $0x5, s26;
	v62 =	vadd.s32 s29, v55;
	v57 =	vld.idx.msk [tilespmem:v20+s3+$0x0], $0xffff;
	v20 =	vadd.s32 s12, v54;
	[tilespmem:v59+s15+$0x0] =	vst.idx.msk $0xffff, v27;
	(pc) =	sbr.rel @p2 .LBB2_4-.Ltmp2, $4  }
0x108: {  	s31 =	sadd.s32 $0x4, s26;
	v63 =	vadd.s32 s30, v55;
	v22 =	vadd.s32 s0, v54;
	[tilespmem:v28+s15+$0x0] =	vst.idx.msk $0xffff, v29;
	v58 =	vld.idx.msk [tilespmem:v31+s3+$0x0], $0xffff  }
0x109: {  	s0 =	sadd.s32 $0x3, s26;
	v19 =	vadd.s32 s31, v55;
	v23 =	vadd.s32 s2, v54;
	v59 =	vld.idx.msk [tilespmem:v30+s3+$0x0], $0xffff;
	[tilespmem:v61+s15+$0x0] =	vst.idx.msk $0xffff, v60  }
0x10a: {  	s2 =	sadd.s32 $0x2, s26;
	v21 =	vadd.s32 s0, v55;
	v25 =	vadd.s32 s18, v54;
	v60 =	vld.idx.msk [tilespmem:v33+s3+$0x0], $0xffff;
	[tilespmem:v34+s15+$0x0] =	vst.idx.msk $0xffff, v32  }
0x10b: {  	s18 =	sadd.s32 $0x1, s26;
	s26 =	sadd.s32 $0x10, s26;
	v24 =	vadd.s32 s2, v55;
	v26 =	vadd.s32 s6, v54;
	v61 =	vld.idx.msk [tilespmem:v0+s3+$0x0], $0xffff;
	[tilespmem:v1+s15+$0x0] =	vst.idx.msk $0xffff, v50  }
0x10c: {  	_ =	sdelay $0x3  }
0x10d: {  	v0 =	vadd.s32 s28, v54;
	[tilespmem:v20+s15+$0x0] =	vst.idx.msk $0xffff, v56  }
0x10e: {  	v1 =	vadd.s32 s18, v55;
	v20 =	vld.idx.msk [tilespmem:v62+s3+$0x0], $0xffff;
	v27 =	vadd.s32 s29, v54;
	[tilespmem:v22+s15+$0x0] =	vst.idx.msk $0xffff, v57  }
0x10f: {  	v63 =	vld.idx.msk [tilespmem:v63+s3+$0x0], $0xffff;
	v28 =	vadd.s32 s30, v54;
	[tilespmem:v23+s15+$0x0] =	vst.idx.msk $0xffff, v58  }
0x110: {  	v19 =	vld.idx.msk [tilespmem:v19+s3+$0x0], $0xffff;
	v30 =	vadd.s32 s31, v54;
	[tilespmem:v25+s15+$0x0] =	vst.idx.msk $0xffff, v59  }
0x111: {  	v21 =	vld.idx.msk [tilespmem:v21+s3+$0x0], $0xffff;
	v31 =	vadd.s32 s0, v54;
	[tilespmem:v26+s15+$0x0] =	vst.idx.msk $0xffff, v60  }
0x112: {  	v24 =	vld.idx.msk [tilespmem:v24+s3+$0x0], $0xffff;
	v32 =	vadd.s32 s2, v54;
	[tilespmem:v0+s15+$0x0] =	vst.idx.msk $0xffff, v61  }
0x113: {  	v0 =	vld.idx.msk [tilespmem:v1+s3+$0x0], $0xffff;
	v1 =	vadd.s32 s18, v54;
	[tilespmem:v27+s15+$0x0] =	vst.idx.msk $0xffff, v20  }
0x114: {  	[tilespmem:v28+s15+$0x0] =	vst.idx.msk $0xffff, v63;
	v20 =	vor.u32 v41, v52  }
0x115: {  	[tilespmem:v30+s15+$0x0] =	vst.idx.msk $0xffff, v19;
	v19 =	vor.u32 v42, v52  }
0x116: {  	v33 =	vor.u32 v45, v52;
	[tilespmem:v31+s15+$0x0] =	vst.idx.msk $0xffff, v21  }
0x117: {  	v34 =	vor.u32 v46, v52;
	[tilespmem:v32+s15+$0x0] =	vst.idx.msk $0xffff, v24  }
0x118: {  	[tilespmem:v1+s15+$0x0] =	vst.idx.msk $0xffff, v0  }
0x119: {  	v0 =	vor.u32 v35, v52;
	v1 =	vld.idx.msk [tilespmem:v20+s3+$0x0], $0xffff  }
0x11a: {  	v54 =	vor.u32 v4, v53;
	v19 =	vld.idx.msk [tilespmem:v19+s3+$0x0], $0xffff  }
0x11b: {  	v50 =	vor.u32 v36, v52;
	v20 =	vor.u32 v44, v53;
	v21 =	vld.idx.msk [tilespmem:v33+s3+$0x0], $0xffff  }
0x11c: {  	v55 =	vor.u32 v37, v52;
	v22 =	vld.idx.msk [tilespmem:v34+s3+$0x0], $0xffff  }
0x11d: {  	v56 =	vor.u32 v5, v53;
	v57 =	vor.u32 v38, v52;
	v33 =	vld [tilespmem:$0x1FEE0]  }
0x11e: {  	v30 =	vor.u32 v7, v53;
	v31 =	vor.u32 v43, v52;
	v0 =	vld.idx.msk [tilespmem:v0+s3+$0x0], $0xffff  }
0x11f: {  	v29 =	vor.u32 v40, v52;
	v58 =	vor.u32 v6, v53;
	[tilespmem:v54+s15+$0x0] =	vst.idx.msk $0xffff, v19;
	v54 =	vld [tilespmem:$0x1FEF0]  }
0x120: {  	v59 =	vor.u32 v47, v52;
	[tilespmem:v20+s15+$0x0] =	vst.idx.msk $0xffff, v1;
	v1 =	vld.idx.msk [tilespmem:v50+s3+$0x0], $0xffff;
	v20 =	vor.u32 v8, v53  }
0x121: {  	v60 =	vor.u32 v9, v53;
	v61 =	vor.u32 v48, v52;
	v19 =	vld.idx.msk [tilespmem:v55+s3+$0x0], $0xffff  }
0x122: {  	v63 =	vor.u32 v10, v53;
	v62 =	vld.idx.msk [tilespmem:v57+s3+$0x0], $0xffff;
	[tilespmem:v56+s15+$0x0] =	vst.idx.msk $0xffff, v21;
	v27 =	vor.u32 v33, v52  }
0x123: {  	v55 =	vor.u32 v12, v53;
	v56 =	vor.u32 v2, v52;
	[tilespmem:v30+s15+$0x0] =	vst.idx.msk $0xffff, v0;
	v0 =	vld.idx.msk [tilespmem:v31+s3+$0x0], $0xffff  }
0x124: {  	v34 =	vld.idx.msk [tilespmem:v29+s3+$0x0], $0xffff;
	[tilespmem:v58+s15+$0x0] =	vst.idx.msk $0xffff, v22;
	v50 =	vor.u32 v11, v53;
	v29 =	vor.u32 v54, v52  }
0x125: {  	v57 =	vor.u32 v3, v52;
	[tilespmem:v20+s15+$0x0] =	vst.idx.msk $0xffff, v1;
	v1 =	vld.idx.msk [tilespmem:v59+s3+$0x0], $0xffff;
	v20 =	vor.u32 v13, v53  }
0x126: {  	v58 =	vor.u32 v14, v53;
	[tilespmem:v60+s15+$0x0] =	vst.idx.msk $0xffff, v19;
	v19 =	vld.idx.msk [tilespmem:v61+s3+$0x0], $0xffff  }
0x127: {  	[tilespmem:v63+s15+$0x0] =	vst.idx.msk $0xffff, v62;
	v59 =	vld.idx.msk [tilespmem:v27+s3+$0x0], $0xffff;
	v60 =	vor.u32 v15, v53  }
0x128: {  	v63 =	vor.u32 v17, v53;
	[tilespmem:v55+s15+$0x0] =	vst.idx.msk $0xffff, v0;
	v0 =	vld.idx.msk [tilespmem:v56+s3+$0x0], $0xffff  }
0x129: {  	s25 =	sadd.s32 $0x1, s25;
	v62 =	vor.u32 v16, v53;
	[tilespmem:v50+s15+$0x0] =	vst.idx.msk $0xffff, v34;
	v61 =	vld.idx.msk [tilespmem:v29+s3+$0x0], $0xffff  }
0x12a: {  	p2 =	sne.s32 s25, $0x8;
	[tilespmem:v20+s15+$0x0] =	vst.idx.msk $0xffff, v1;
	v1 =	vld.idx.msk [tilespmem:v57+s3+$0x0], $0xffff;
	v20 =	vor.u32 v18, v53  }
.Ltmp3:
0x12b: {  	[tilespmem:v58+s15+$0x0] =	vst.idx.msk $0xffff, v19;
	(pc) =	sbr.rel @p2 .LBB2_3-.Ltmp3, $4  }
0x12c: {  	[tilespmem:v60+s15+$0x0] =	vst.idx.msk $0xffff, v59  }
0x12d: {  	[tilespmem:v63+s15+$0x0] =	vst.idx.msk $0xffff, v0  }
0x12e: {  	[tilespmem:v62+s15+$0x0] =	vst.idx.msk $0xffff, v61  }
0x12f: {  	[tilespmem:v20+s15+$0x0] =	vst.idx.msk $0xffff, v1  }
0x130: {  	s0 =	sshll.u32 s21, $0xE;
	s21 =	sadd.s32 $0x1, s21  }
0x131: {  	p2 =	sne.s32 s21, s5  }
.Ltmp4:
0x132: {  	_ = 	snop;
	(pc) =	sbr.rel @p2 .LBB2_2-.Ltmp4, $4  }
0x133: {  	s0 =	sadd.s32 s8, s0  }
0x134: {  	s0 =	sshrl.u32 s0, $0x3  }
0x135: {  	s2 =	sadd.s32 $0x1, s22;
	s4 =	sor.u32 $0x3F80, s23;
	s0 =	sadd.s32 s1, s0  }
0x136: {  	[hbm4b:s0+s3] =	stream.linear.scatter [tilespmem:s4], [sflag:s2], $0x4000, $0x38;
	[tilespmem:$0x13F80] =	vst v63  }
0x137: {  	_ =	swait.ge [sflag:s13], $0x4000  }
0x138: {  	[sflag:s13] =	ssyncset.done $0x0  }
0x139: {  	[sflag:s13] =	ssyncadd.s32 $0xFFFFC000  }
0x13a: {  	_ =	swait.ge [sflag:s14], $0x4000  }
0x13b: {  	[sflag:s14] =	ssyncset.done $0x0  }
0x13c: {  	[sflag:s14] =	ssyncadd.s32 $0xFFFFC000  }
0x13d: {  	_ =	swait.ge [sflag:s16], $0x4000  }
.Ltmp5:
0x13e: {  	[sflag:s16] =	ssyncset.done $0x0;
	(pc) =	sbr.rel @p1 .LBB2_13-.Ltmp5, $4  }
0x13f: {  	[sflag:s16] =	ssyncadd.s32 $0xFFFFC000  }
0x140: {  	_ =	swait.ge [sflag:s17], $0x4000  }
0x141: {  	[sflag:s17] =	ssyncset.done $0x0  }
0x142: {  	[sflag:s17] =	ssyncadd.s32 $0xFFFFC000  }
0x143: {  	s0 =	simm.s32 $0x0;
	s2 =	rddreg [dreg:$0x6];
	s4 =	simm.s32 $0x3F00  }
0x144: {  	[tilespmem:s4], [sflag:$0x5] =	stream.linear.gather [hbm4b:s2+s0], $0x20, $0x38;
	[tilespmem:$0x13F80] =	vst v63  }
0x145: {  	_ =	swait.ge [sflag:s19], $0x20  }
0x146: {  	[sflag:s19] =	ssyncset.done $0x0  }
0x147: {  	[sflag:s19] =	ssyncadd.s32 $0xFFFFFFE0  }
0x148: {  	v0 =	vld [tilespmem:$0x3F00];
	_ =	sdelay $0x4  }
0x149: {  	v51 =	vshll.u32 v0, $0x7;
	v0 =	vlaneseq.u32  }
0x14a: {  	v52 =	vor.u32 v0, v51  }
0x14b: {  	s30 =	simm.s32 $0xF;
	v0 =	vor.u32 s0, v52  }
0x14c: {  	s31 =	simm.s32 $0xE;
	v1 =	vadd.s32 s30, v52  }
0x14d: {  	s6 =	simm.s32 $0xD;
	v19 =	vadd.s32 s31, v52  }
0x14e: {  	s9 =	simm.s32 $0xC;
	v20 =	vadd.s32 s6, v52  }
0x14f: {  	s10 =	simm.s32 $0xB;
	v21 =	vadd.s32 s9, v52  }
0x150: {  	s12 =	simm.s32 $0xA;
	v22 =	vadd.s32 s10, v52;
	v0 =	vld.idx.msk [tilespmem:v0+s3+$0x0], $0xffff  }
0x151: {  	s18 =	simm.s32 $0x9;
	v23 =	vor.u32 s0, v39;
	v24 =	vadd.s32 s12, v52;
	v1 =	vld.idx.msk [tilespmem:v1+s3+$0x0], $0xffff  }
0x152: {  	s21 =	simm.s32 $0x8;
	v27 =	vadd.s32 s30, v39;
	v25 =	vadd.s32 s18, v52;
	v26 =	vld.idx.msk [tilespmem:v19+s3+$0x0], $0xffff  }
0x153: {  	s22 =	simm.s32 $0x7;
	v30 =	vadd.s32 s31, v39;
	v28 =	vadd.s32 s21, v52;
	v29 =	vld.idx.msk [tilespmem:v20+s3+$0x0], $0xffff  }
0x154: {  	s23 =	simm.s32 $0x6;
	v32 =	vadd.s32 s6, v39;
	v31 =	vadd.s32 s22, v52;
	v53 =	vld.idx.msk [tilespmem:v21+s3+$0x0], $0xffff  }
0x155: {  	s24 =	simm.s32 $0x5;
	v59 =	vadd.s32 s23, v52;
	v54 =	vld.idx.msk [tilespmem:v22+s3+$0x0], $0xffff;
	v20 =	vadd.s32 s9, v39  }
0x156: {  	s0 =	simm.s32 $0x4;
	v19 =	vadd.s32 s24, v52;
	v55 =	vld.idx.msk [tilespmem:v24+s3+$0x0], $0xffff;
	v22 =	vadd.s32 s10, v39;
	[tilespmem:v23+s15+$0x0] =	vst.idx.msk $0xffff, v0  }
0x157: {  	s25 =	simm.s32 $0x3;
	v60 =	vadd.s32 s0, v52;
	v56 =	vld.idx.msk [tilespmem:v25+s3+$0x0], $0xffff;
	v23 =	vadd.s32 s12, v39;
	[tilespmem:v27+s15+$0x0] =	vst.idx.msk $0xffff, v1  }
0x158: {  	s2 =	simm.s32 $0x2;
	v21 =	vadd.s32 s25, v52;
	v57 =	vld.idx.msk [tilespmem:v28+s3+$0x0], $0xffff;
	v25 =	vadd.s32 s18, v39;
	[tilespmem:v30+s15+$0x0] =	vst.idx.msk $0xffff, v26  }
0x159: {  	s18 =	simm.s32 $0x1;
	v24 =	vadd.s32 s2, v52;
	v58 =	vld.idx.msk [tilespmem:v31+s3+$0x0], $0xffff;
	v26 =	vadd.s32 s21, v39;
	[tilespmem:v32+s15+$0x0] =	vst.idx.msk $0xffff, v29;
	s21 =	simm.s32 $0x10  }
.LBB2_9:
0x15a: {  	p2 =	slt.u32 s21, $0x60;
	v0 =	vadd.s32 s18, v52;
	v1 =	vld.idx.msk [tilespmem:v59+s3+$0x0], $0xffff;
	v27 =	vadd.s32 s22, v39;
	[tilespmem:v20+s15+$0x0] =	vst.idx.msk $0xffff, v53  }
0x15b: {  	v20 =	vor.u32 s21, v52;
	s4 =	sadd.s32 $0xF, s21;
	v28 =	vadd.s32 s23, v39;
	v19 =	vld.idx.msk [tilespmem:v19+s3+$0x0], $0xffff;
	[tilespmem:v22+s15+$0x0] =	vst.idx.msk $0xffff, v54  }
0x15c: {  	s6 =	sadd.s32 $0xE, s21;
	v30 =	vadd.s32 s24, v39;
	v22 =	vadd.s32 s4, v52;
	v29 =	vld.idx.msk [tilespmem:v60+s3+$0x0], $0xffff;
	[tilespmem:v23+s15+$0x0] =	vst.idx.msk $0xffff, v55  }
0x15d: {  	s9 =	sadd.s32 $0xD, s21;
	v31 =	vadd.s32 s0, v39;
	v23 =	vadd.s32 s6, v52;
	v21 =	vld.idx.msk [tilespmem:v21+s3+$0x0], $0xffff;
	[tilespmem:v25+s15+$0x0] =	vst.idx.msk $0xffff, v56  }
0x15e: {  	s0 =	sadd.s32 $0xC, s21;
	v32 =	vadd.s32 s25, v39;
	v25 =	vadd.s32 s9, v52;
	v24 =	vld.idx.msk [tilespmem:v24+s3+$0x0], $0xffff;
	[tilespmem:v26+s15+$0x0] =	vst.idx.msk $0xffff, v57  }
0x15f: {  	s10 =	sadd.s32 $0xB, s21;
	v33 =	vadd.s32 s2, v39;
	v26 =	vadd.s32 s0, v52;
	v0 =	vld.idx.msk [tilespmem:v0+s3+$0x0], $0xffff;
	[tilespmem:v27+s15+$0x0] =	vst.idx.msk $0xffff, v58  }
0x160: {  	s2 =	sadd.s32 $0xA, s21;
	v34 =	vadd.s32 s18, v39;
	v27 =	vld.idx.msk [tilespmem:v20+s3+$0x0], $0xffff;
	v20 =	vadd.s32 s10, v52;
	[tilespmem:v28+s15+$0x0] =	vst.idx.msk $0xffff, v1  }
0x161: {  	s12 =	sadd.s32 $0x9, s21;
	v1 =	vor.u32 s21, v39;
	v28 =	vadd.s32 s2, v52;
	v50 =	vld.idx.msk [tilespmem:v22+s3+$0x0], $0xffff;
	[tilespmem:v30+s15+$0x0] =	vst.idx.msk $0xffff, v19  }
0x162: {  	s26 =	sadd.s32 $0x8, s21;
	v57 =	vadd.s32 s4, v39;
	v30 =	vadd.s32 s12, v52;
	v58 =	vld.idx.msk [tilespmem:v23+s3+$0x0], $0xffff;
	[tilespmem:v31+s15+$0x0] =	vst.idx.msk $0xffff, v29  }
0x163: {  	s22 =	sadd.s32 $0x7, s21;
	v61 =	vadd.s32 s6, v39;
	v29 =	vadd.s32 s26, v52;
	v31 =	vld.idx.msk [tilespmem:v25+s3+$0x0], $0xffff;
	[tilespmem:v32+s15+$0x0] =	vst.idx.msk $0xffff, v21  }
0x164: {  	s23 =	sadd.s32 $0x6, s21;
	v62 =	vadd.s32 s9, v39;
	v32 =	vadd.s32 s22, v52;
	v53 =	vld.idx.msk [tilespmem:v26+s3+$0x0], $0xffff;
	[tilespmem:v33+s15+$0x0] =	vst.idx.msk $0xffff, v24  }
.Ltmp6:
0x165: {  	s24 =	sadd.s32 $0x5, s21;
	v59 =	vadd.s32 s23, v52;
	v54 =	vld.idx.msk [tilespmem:v20+s3+$0x0], $0xffff;
	v20 =	vadd.s32 s0, v39;
	[tilespmem:v34+s15+$0x0] =	vst.idx.msk $0xffff, v0;
	(pc) =	sbr.rel @p2 .LBB2_9-.Ltmp6, $4  }
0x166: {  	v19 =	vadd.s32 s24, v52;
	v22 =	vadd.s32 s10, v39;
	s0 =	sadd.s32 $0x4, s21;
	[tilespmem:v1+s15+$0x0] =	vst.idx.msk $0xffff, v27;
	v55 =	vld.idx.msk [tilespmem:v28+s3+$0x0], $0xffff  }
0x167: {  	s25 =	sadd.s32 $0x3, s21;
	v23 =	vadd.s32 s2, v39;
	v60 =	vadd.s32 s0, v52;
	v56 =	vld.idx.msk [tilespmem:v30+s3+$0x0], $0xffff;
	[tilespmem:v57+s15+$0x0] =	vst.idx.msk $0xffff, v50  }
0x168: {  	s2 =	sadd.s32 $0x2, s21;
	v21 =	vadd.s32 s25, v52;
	v25 =	vadd.s32 s12, v39;
	v57 =	vld.idx.msk [tilespmem:v29+s3+$0x0], $0xffff;
	[tilespmem:v61+s15+$0x0] =	vst.idx.msk $0xffff, v58  }
0x169: {  	s18 =	sadd.s32 $0x1, s21;
	v24 =	vadd.s32 s2, v52;
	v26 =	vadd.s32 s26, v39;
	s21 =	sadd.s32 $0x10, s21;
	v58 =	vld.idx.msk [tilespmem:v32+s3+$0x0], $0xffff;
	[tilespmem:v62+s15+$0x0] =	vst.idx.msk $0xffff, v31  }
0x16a: {  	_ =	sdelay $0x3  }
0x16b: {  	v0 =	vadd.s32 s22, v39;
	[tilespmem:v20+s15+$0x0] =	vst.idx.msk $0xffff, v53  }
0x16c: {  	v1 =	vadd.s32 s18, v52;
	v20 =	vld.idx.msk [tilespmem:v59+s3+$0x0], $0xffff;
	v27 =	vadd.s32 s23, v39;
	[tilespmem:v22+s15+$0x0] =	vst.idx.msk $0xffff, v54  }
0x16d: {  	v19 =	vld.idx.msk [tilespmem:v19+s3+$0x0], $0xffff;
	v22 =	vadd.s32 s24, v39;
	[tilespmem:v23+s15+$0x0] =	vst.idx.msk $0xffff, v55  }
0x16e: {  	v28 =	vadd.s32 s0, v39;
	v23 =	vld.idx.msk [tilespmem:v60+s3+$0x0], $0xffff;
	[tilespmem:v25+s15+$0x0] =	vst.idx.msk $0xffff, v56  }
0x16f: {  	v21 =	vld.idx.msk [tilespmem:v21+s3+$0x0], $0xffff;
	v25 =	vadd.s32 s25, v39;
	[tilespmem:v26+s15+$0x0] =	vst.idx.msk $0xffff, v57  }
0x170: {  	v24 =	vld.idx.msk [tilespmem:v24+s3+$0x0], $0xffff;
	v26 =	vadd.s32 s2, v39;
	[tilespmem:v0+s15+$0x0] =	vst.idx.msk $0xffff, v58  }
0x171: {  	v0 =	vld.idx.msk [tilespmem:v1+s3+$0x0], $0xffff;
	v1 =	vadd.s32 s18, v39;
	[tilespmem:v27+s15+$0x0] =	vst.idx.msk $0xffff, v20  }
0x172: {  	[tilespmem:v22+s15+$0x0] =	vst.idx.msk $0xffff, v19;
	v19 =	vor.u32 v41, v51  }
0x173: {  	v22 =	vor.u32 v46, v51;
	[tilespmem:v28+s15+$0x0] =	vst.idx.msk $0xffff, v23  }
0x174: {  	v20 =	vor.u32 v42, v51;
	[tilespmem:v25+s15+$0x0] =	vst.idx.msk $0xffff, v21  }
0x175: {  	v21 =	vor.u32 v45, v51;
	[tilespmem:v26+s15+$0x0] =	vst.idx.msk $0xffff, v24  }
0x176: {  	s29 =	simm.s32 $0x0;
	[tilespmem:v1+s15+$0x0] =	vst.idx.msk $0xffff, v0;
	v0 =	vor.u32 v35, v51  }
0x177: {  	v1 =	vld.idx.msk [tilespmem:v19+s29+$0x0], $0xffff;
	v19 =	vor.u32 v36, v51  }
0x178: {  	v25 =	vor.u32 v40, v51;
	v22 =	vld.idx.msk [tilespmem:v22+s29+$0x0], $0xffff  }
0x179: {  	v20 =	vld.idx.msk [tilespmem:v20+s29+$0x0], $0xffff  }
0x17a: {  	v24 =	vor.u32 v38, v51;
	v21 =	vld.idx.msk [tilespmem:v21+s29+$0x0], $0xffff  }
0x17b: {  	v0 =	vld.idx.msk [tilespmem:v0+s29+$0x0], $0xffff  }
0x17c: {  	v23 =	vor.u32 v37, v51;
	[tilespmem:v44+s15+$0x0] =	vst.idx.msk $0xffff, v1;
	v1 =	vld.idx.msk [tilespmem:v19+s29+$0x0], $0xffff  }
0x17d: {  	v26 =	vor.u32 v43, v51;
	[tilespmem:v6+s15+$0x0] =	vst.idx.msk $0xffff, v22;
	v22 =	vld.idx.msk [tilespmem:v25+s29+$0x0], $0xffff  }
0x17e: {  	v25 =	vld [tilespmem:$0x1FEF0]  }
0x17f: {  	v19 =	vor.u32 v47, v51;
	[tilespmem:v5+s15+$0x0] =	vst.idx.msk $0xffff, v21;
	v21 =	vld.idx.msk [tilespmem:v24+s29+$0x0], $0xffff  }
0x180: {  	v24 =	vld [tilespmem:$0x1FEE0]  }
0x181: {  	[tilespmem:v4+s15+$0x0] =	vst.idx.msk $0xffff, v20;
	v20 =	vld.idx.msk [tilespmem:v23+s29+$0x0], $0xffff;
	v23 =	vor.u32 v48, v51  }
0x182: {  	[tilespmem:v7+s15+$0x0] =	vst.idx.msk $0xffff, v0;
	v0 =	vld.idx.msk [tilespmem:v26+s29+$0x0], $0xffff;
	v26 =	vor.u32 v2, v51  }
0x183: {  	v25 =	vor.u32 v25, v51  }
0x184: {  	[tilespmem:v8+s15+$0x0] =	vst.idx.msk $0xffff, v1;
	v1 =	vld.idx.msk [tilespmem:v19+s29+$0x0], $0xffff;
	v19 =	vor.u32 v3, v51  }
0x185: {  	v24 =	vor.u32 v24, v51  }
0x186: {  	[tilespmem:v9+s15+$0x0] =	vst.idx.msk $0xffff, v20;
	v20 =	vld.idx.msk [tilespmem:v23+s29+$0x0], $0xffff  }
0x187: {  	[tilespmem:v12+s15+$0x0] =	vst.idx.msk $0xffff, v0;
	v0 =	vld.idx.msk [tilespmem:v26+s29+$0x0], $0xffff  }
0x188: {  	[tilespmem:v11+s15+$0x0] =	vst.idx.msk $0xffff, v22;
	v22 =	vld.idx.msk [tilespmem:v25+s29+$0x0], $0xffff  }
0x189: {  	[tilespmem:v13+s15+$0x0] =	vst.idx.msk $0xffff, v1;
	v1 =	vld.idx.msk [tilespmem:v19+s29+$0x0], $0xffff  }
0x18a: {  	[tilespmem:v10+s15+$0x0] =	vst.idx.msk $0xffff, v21;
	v21 =	vld.idx.msk [tilespmem:v24+s29+$0x0], $0xffff  }
0x18b: {  	[tilespmem:v14+s15+$0x0] =	vst.idx.msk $0xffff, v20  }
0x18c: {  	[tilespmem:v17+s15+$0x0] =	vst.idx.msk $0xffff, v0  }
0x18d: {  	[tilespmem:v16+s15+$0x0] =	vst.idx.msk $0xffff, v22  }
0x18e: {  	[tilespmem:v18+s15+$0x0] =	vst.idx.msk $0xffff, v1  }
0x18f: {  	[tilespmem:v15+s15+$0x0] =	vst.idx.msk $0xffff, v21  }
0x190: {  	v0 =	vld [tilespmem:$0x3F10];
	_ =	sdelay $0x4  }
0x191: {  	v51 =	vshll.u32 v0, $0x7;
	v0 =	vlaneseq.u32  }
0x192: {  	v52 =	vor.u32 v0, v51  }
0x193: {  	s30 =	simm.s32 $0xF;
	v0 =	vor.u32 s29, v52  }
0x194: {  	s4 =	simm.s32 $0xE;
	v1 =	vadd.s32 s30, v52  }
0x195: {  	s6 =	simm.s32 $0xD;
	v19 =	vadd.s32 s4, v52  }
0x196: {  	s9 =	simm.s32 $0xC;
	v20 =	vadd.s32 s6, v52  }
0x197: {  	s10 =	simm.s32 $0xB;
	v21 =	vadd.s32 s9, v52  }
0x198: {  	s12 =	simm.s32 $0xA;
	v22 =	vadd.s32 s10, v52;
	v0 =	vld.idx.msk [tilespmem:v0+s3+$0x0], $0xffff  }
0x199: {  	s31 =	simm.s32 $0x9;
	v23 =	vor.u32 s29, v49;
	v24 =	vadd.s32 s12, v52;
	v1 =	vld.idx.msk [tilespmem:v1+s3+$0x0], $0xffff  }
0x19a: {  	s21 =	simm.s32 $0x8;
	v27 =	vadd.s32 s30, v49;
	v25 =	vadd.s32 s31, v52;
	v26 =	vld.idx.msk [tilespmem:v19+s3+$0x0], $0xffff  }
0x19b: {  	s22 =	simm.s32 $0x7;
	v30 =	vadd.s32 s4, v49;
	v50 =	vadd.s32 s21, v52;
	v29 =	vld.idx.msk [tilespmem:v20+s3+$0x0], $0xffff  }
0x19c: {  	s23 =	simm.s32 $0x6;
	v32 =	vadd.s32 s6, v49;
	v31 =	vadd.s32 s22, v52;
	v53 =	vld.idx.msk [tilespmem:v21+s3+$0x0], $0xffff  }
0x19d: {  	s24 =	simm.s32 $0x5;
	v59 =	vadd.s32 s23, v52;
	v54 =	vld.idx.msk [tilespmem:v22+s3+$0x0], $0xffff;
	v20 =	vadd.s32 s9, v49  }
0x19e: {  	s0 =	simm.s32 $0x4;
	v19 =	vadd.s32 s24, v52;
	v55 =	vld.idx.msk [tilespmem:v24+s3+$0x0], $0xffff;
	v22 =	vadd.s32 s10, v49;
	[tilespmem:v23+s15+$0x0] =	vst.idx.msk $0xffff, v0  }
0x19f: {  	s25 =	simm.s32 $0x3;
	v60 =	vadd.s32 s0, v52;
	v56 =	vld.idx.msk [tilespmem:v25+s3+$0x0], $0xffff;
	v23 =	vadd.s32 s12, v49;
	[tilespmem:v27+s15+$0x0] =	vst.idx.msk $0xffff, v1  }
0x1a0: {  	s2 =	simm.s32 $0x2;
	v21 =	vadd.s32 s25, v52;
	v57 =	vld.idx.msk [tilespmem:v50+s3+$0x0], $0xffff;
	v25 =	vadd.s32 s31, v49;
	[tilespmem:v30+s15+$0x0] =	vst.idx.msk $0xffff, v26  }
0x1a1: {  	s18 =	simm.s32 $0x1;
	v24 =	vadd.s32 s2, v52;
	v58 =	vld.idx.msk [tilespmem:v31+s3+$0x0], $0xffff;
	v26 =	vadd.s32 s21, v49;
	[tilespmem:v32+s15+$0x0] =	vst.idx.msk $0xffff, v29;
	s21 =	simm.s32 $0x10  }
.LBB2_11:
0x1a2: {  	p2 =	slt.u32 s21, $0x60;
	v0 =	vadd.s32 s18, v52;
	v1 =	vld.idx.msk [tilespmem:v59+s3+$0x0], $0xffff;
	v27 =	vadd.s32 s22, v49;
	[tilespmem:v20+s15+$0x0] =	vst.idx.msk $0xffff, v53  }
0x1a3: {  	v20 =	vor.u32 s21, v52;
	s4 =	sadd.s32 $0xF, s21;
	v28 =	vadd.s32 s23, v49;
	v19 =	vld.idx.msk [tilespmem:v19+s3+$0x0], $0xffff;
	[tilespmem:v22+s15+$0x0] =	vst.idx.msk $0xffff, v54  }
0x1a4: {  	s6 =	sadd.s32 $0xE, s21;
	v30 =	vadd.s32 s24, v49;
	v22 =	vadd.s32 s4, v52;
	v29 =	vld.idx.msk [tilespmem:v60+s3+$0x0], $0xffff;
	[tilespmem:v23+s15+$0x0] =	vst.idx.msk $0xffff, v55  }
0x1a5: {  	s9 =	sadd.s32 $0xD, s21;
	v31 =	vadd.s32 s0, v49;
	v23 =	vadd.s32 s6, v52;
	v21 =	vld.idx.msk [tilespmem:v21+s3+$0x0], $0xffff;
	[tilespmem:v25+s15+$0x0] =	vst.idx.msk $0xffff, v56  }
0x1a6: {  	s0 =	sadd.s32 $0xC, s21;
	v32 =	vadd.s32 s25, v49;
	v25 =	vadd.s32 s9, v52;
	v24 =	vld.idx.msk [tilespmem:v24+s3+$0x0], $0xffff;
	[tilespmem:v26+s15+$0x0] =	vst.idx.msk $0xffff, v57  }
0x1a7: {  	s10 =	sadd.s32 $0xB, s21;
	v33 =	vadd.s32 s2, v49;
	v26 =	vadd.s32 s0, v52;
	v0 =	vld.idx.msk [tilespmem:v0+s3+$0x0], $0xffff;
	[tilespmem:v27+s15+$0x0] =	vst.idx.msk $0xffff, v58  }
0x1a8: {  	s2 =	sadd.s32 $0xA, s21;
	v34 =	vadd.s32 s18, v49;
	v27 =	vld.idx.msk [tilespmem:v20+s3+$0x0], $0xffff;
	v20 =	vadd.s32 s10, v52;
	[tilespmem:v28+s15+$0x0] =	vst.idx.msk $0xffff, v1  }
0x1a9: {  	s12 =	sadd.s32 $0x9, s21;
	v1 =	vor.u32 s21, v49;
	v28 =	vadd.s32 s2, v52;
	v50 =	vld.idx.msk [tilespmem:v22+s3+$0x0], $0xffff;
	[tilespmem:v30+s15+$0x0] =	vst.idx.msk $0xffff, v19  }
0x1aa: {  	s26 =	sadd.s32 $0x8, s21;
	v57 =	vadd.s32 s4, v49;
	v30 =	vadd.s32 s12, v52;
	v58 =	vld.idx.msk [tilespmem:v23+s3+$0x0], $0xffff;
	[tilespmem:v31+s15+$0x0] =	vst.idx.msk $0xffff, v29  }
0x1ab: {  	s22 =	sadd.s32 $0x7, s21;
	v61 =	vadd.s32 s6, v49;
	v29 =	vadd.s32 s26, v52;
	v31 =	vld.idx.msk [tilespmem:v25+s3+$0x0], $0xffff;
	[tilespmem:v32+s15+$0x0] =	vst.idx.msk $0xffff, v21  }
0x1ac: {  	s23 =	sadd.s32 $0x6, s21;
	v62 =	vadd.s32 s9, v49;
	v32 =	vadd.s32 s22, v52;
	v53 =	vld.idx.msk [tilespmem:v26+s3+$0x0], $0xffff;
	[tilespmem:v33+s15+$0x0] =	vst.idx.msk $0xffff, v24  }
.Ltmp7:
0x1ad: {  	s24 =	sadd.s32 $0x5, s21;
	v59 =	vadd.s32 s23, v52;
	v54 =	vld.idx.msk [tilespmem:v20+s3+$0x0], $0xffff;
	v20 =	vadd.s32 s0, v49;
	[tilespmem:v34+s15+$0x0] =	vst.idx.msk $0xffff, v0;
	(pc) =	sbr.rel @p2 .LBB2_11-.Ltmp7, $4  }
0x1ae: {  	v19 =	vadd.s32 s24, v52;
	v22 =	vadd.s32 s10, v49;
	s0 =	sadd.s32 $0x4, s21;
	[tilespmem:v1+s15+$0x0] =	vst.idx.msk $0xffff, v27;
	v55 =	vld.idx.msk [tilespmem:v28+s3+$0x0], $0xffff  }
0x1af: {  	s25 =	sadd.s32 $0x3, s21;
	v23 =	vadd.s32 s2, v49;
	v60 =	vadd.s32 s0, v52;
	v56 =	vld.idx.msk [tilespmem:v30+s3+$0x0], $0xffff;
	[tilespmem:v57+s15+$0x0] =	vst.idx.msk $0xffff, v50  }
0x1b0: {  	s2 =	sadd.s32 $0x2, s21;
	v21 =	vadd.s32 s25, v52;
	v25 =	vadd.s32 s12, v49;
	v57 =	vld.idx.msk [tilespmem:v29+s3+$0x0], $0xffff;
	[tilespmem:v61+s15+$0x0] =	vst.idx.msk $0xffff, v58  }
0x1b1: {  	s18 =	sadd.s32 $0x1, s21;
	v24 =	vadd.s32 s2, v52;
	v26 =	vadd.s32 s26, v49;
	s21 =	sadd.s32 $0x10, s21;
	v58 =	vld.idx.msk [tilespmem:v32+s3+$0x0], $0xffff;
	[tilespmem:v62+s15+$0x0] =	vst.idx.msk $0xffff, v31  }
0x1b2: {  	_ =	sdelay $0x3  }
0x1b3: {  	v0 =	vadd.s32 s22, v49;
	[tilespmem:v20+s15+$0x0] =	vst.idx.msk $0xffff, v53  }
0x1b4: {  	v1 =	vadd.s32 s18, v52;
	v20 =	vld.idx.msk [tilespmem:v59+s3+$0x0], $0xffff;
	v27 =	vadd.s32 s23, v49;
	[tilespmem:v22+s15+$0x0] =	vst.idx.msk $0xffff, v54  }
0x1b5: {  	v19 =	vld.idx.msk [tilespmem:v19+s3+$0x0], $0xffff;
	v54 =	vadd.s32 s24, v49;
	[tilespmem:v23+s15+$0x0] =	vst.idx.msk $0xffff, v55  }
0x1b6: {  	v28 =	vadd.s32 s0, v49;
	v55 =	vld.idx.msk [tilespmem:v60+s3+$0x0], $0xffff;
	[tilespmem:v25+s15+$0x0] =	vst.idx.msk $0xffff, v56  }
0x1b7: {  	v21 =	vld.idx.msk [tilespmem:v21+s3+$0x0], $0xffff;
	v56 =	vadd.s32 s25, v49;
	[tilespmem:v26+s15+$0x0] =	vst.idx.msk $0xffff, v57  }
0x1b8: {  	v24 =	vld.idx.msk [tilespmem:v24+s3+$0x0], $0xffff;
	v57 =	vadd.s32 s2, v49;
	[tilespmem:v0+s15+$0x0] =	vst.idx.msk $0xffff, v58  }
0x1b9: {  	v0 =	vld.idx.msk [tilespmem:v1+s3+$0x0], $0xffff;
	v1 =	vadd.s32 s18, v49;
	[tilespmem:v27+s15+$0x0] =	vst.idx.msk $0xffff, v20  }
0x1ba: {  	[tilespmem:v54+s15+$0x0] =	vst.idx.msk $0xffff, v19  }
0x1bb: {  	[tilespmem:v28+s15+$0x0] =	vst.idx.msk $0xffff, v55  }
0x1bc: {  	[tilespmem:v56+s15+$0x0] =	vst.idx.msk $0xffff, v21  }
0x1bd: {  	v19 =	vor.u32 v41, v51;
	[tilespmem:v57+s15+$0x0] =	vst.idx.msk $0xffff, v24  }
0x1be: {  	[tilespmem:v1+s15+$0x0] =	vst.idx.msk $0xffff, v0;
	v0 =	vor.u32 v35, v51  }
0x1bf: {  	v27 =	vld [tilespmem:$0x1FFF0]  }
0x1c0: {  	v54 =	vld [tilespmem:$0x1FF30];
	_ =	sdelay $0x1  }
0x1c1: {  	v1 =	vld.idx.msk [tilespmem:v19+s3+$0x0], $0xffff;
	v19 =	vor.u32 v36, v51  }
0x1c2: {  	v63 =	vor.u32 v43, v51;
	v0 =	vld.idx.msk [tilespmem:v0+s3+$0x0], $0xffff  }
0x1c3: {  	v56 =	vld [tilespmem:$0x1FF40];
	_ =	sdelay $0x1  }
0x1c4: {  	v20 =	vor.u32 v42, v51;
	v30 =	vld [tilespmem:$0x1FF00]  }
0x1c5: {  	[tilespmem:v27+s15+$0x0] =	vst.idx.msk $0xffff, v1;
	v1 =	vld.idx.msk [tilespmem:v19+s3+$0x0], $0xffff;
	v19 =	vor.u32 v47, v51  }
0x1c6: {  	[tilespmem:v54+s15+$0x0] =	vst.idx.msk $0xffff, v0;
	v0 =	vld.idx.msk [tilespmem:v63+s3+$0x0], $0xffff  }
0x1c7: {  	v63 =	vld [tilespmem:$0x1FF90];
	_ =	sdelay $0x1  }
0x1c8: {  	v60 =	vor.u32 v37, v51;
	v20 =	vld.idx.msk [tilespmem:v20+s3+$0x0], $0xffff  }
0x1c9: {  	[tilespmem:v56+s15+$0x0] =	vst.idx.msk $0xffff, v1;
	v1 =	vld.idx.msk [tilespmem:v19+s3+$0x0], $0xffff;
	v19 =	vor.u32 v3, v51  }
0x1ca: {  	v57 =	vld [tilespmem:$0x1FF50];
	_ =	sdelay $0x2  }
0x1cb: {  	v31 =	vor.u32 v48, v51;
	[tilespmem:v30+s15+$0x0] =	vst.idx.msk $0xffff, v20;
	v20 =	vld.idx.msk [tilespmem:v60+s3+$0x0], $0xffff  }
0x1cc: {  	[tilespmem:v63+s15+$0x0] =	vst.idx.msk $0xffff, v1;
	v1 =	vld.idx.msk [tilespmem:v19+s3+$0x0], $0xffff  }
0x1cd: {  	v19 =	vld [tilespmem:$0x1FFA0]  }
0x1ce: {  	v34 =	vld [tilespmem:$0x1FEE0];
	_ =	sdelay $0x1  }
0x1cf: {  	[tilespmem:v57+s15+$0x0] =	vst.idx.msk $0xffff, v20;
	v20 =	vld.idx.msk [tilespmem:v31+s3+$0x0], $0xffff;
	_ =	sdelay $0x1  }
0x1d0: {  	v59 =	vor.u32 v46, v51  }
0x1d1: {  	v24 =	vor.u32 v34, v51;
	_ =	sdelay $0x1  }
0x1d2: {  	[tilespmem:v19+s15+$0x0] =	vst.idx.msk $0xffff, v20;
	v19 =	vld [tilespmem:$0x1FFB0]  }
0x1d3: {  	v53 =	vld [tilespmem:$0x1FEF0]  }
0x1d4: {  	v61 =	vor.u32 v38, v51;
	v22 =	vld.idx.msk [tilespmem:v59+s3+$0x0], $0xffff  }
0x1d5: {  	v59 =	vld.idx.msk [tilespmem:v24+s3+$0x0], $0xffff  }
0x1d6: {  	v62 =	vor.u32 v40, v51;
	_ =	sdelay $0x1  }
0x1d7: {  	v25 =	vor.u32 v53, v51  }
0x1d8: {  	v33 =	vld.idx.msk [tilespmem:v61+s3+$0x0], $0xffff  }
0x1d9: {  	[tilespmem:v19+s15+$0x0] =	vst.idx.msk $0xffff, v59;
	v19 =	vld [tilespmem:$0x1FFC0]  }
0x1da: {  	v52 =	vld.idx.msk [tilespmem:v62+s3+$0x0], $0xffff  }
0x1db: {  	v62 =	vld [tilespmem:$0x1FF80]  }
0x1dc: {  	v61 =	vld.idx.msk [tilespmem:v25+s3+$0x0], $0xffff;
	_ =	sdelay $0x1  }
0x1dd: {  	v58 =	vor.u32 v45, v51  }
0x1de: {  	v55 =	vor.u32 v2, v51;
	_ =	sdelay $0x1  }
0x1df: {  	[tilespmem:v19+s15+$0x0] =	vst.idx.msk $0xffff, v61;
	v19 =	vld [tilespmem:$0x1FFD0];
	_ =	sdelay $0x1  }
0x1e0: {  	v21 =	vld.idx.msk [tilespmem:v58+s3+$0x0], $0xffff  }
0x1e1: {  	[tilespmem:v62+s15+$0x0] =	vst.idx.msk $0xffff, v0;
	v0 =	vld.idx.msk [tilespmem:v55+s3+$0x0], $0xffff  }
0x1e2: {  	v32 =	vld [tilespmem:$0x1FF10]  }
0x1e3: {  	v50 =	vld [tilespmem:$0x1FF20]  }
0x1e4: {  	v58 =	vld [tilespmem:$0x1FF60]  }
0x1e5: {  	v60 =	vld [tilespmem:$0x1FF70]  }
0x1e6: {  	[tilespmem:v19+s15+$0x0] =	vst.idx.msk $0xffff, v0;
	v0 =	vld [tilespmem:$0x1FFE0];
	_ =	sdelay $0x3  }
0x1e7: {  	[tilespmem:v32+s15+$0x0] =	vst.idx.msk $0xffff, v21  }
0x1e8: {  	[tilespmem:v50+s15+$0x0] =	vst.idx.msk $0xffff, v22  }
0x1e9: {  	[tilespmem:v58+s15+$0x0] =	vst.idx.msk $0xffff, v33  }
0x1ea: {  	[tilespmem:v60+s15+$0x0] =	vst.idx.msk $0xffff, v52  }
.Ltmp8:
0x1eb: {  	s31 =	rddreg [dreg:$0x7];
	[tilespmem:v0+s15+$0x0] =	vst.idx.msk $0xffff, v1;
	(pc) =	sbr.rel .LBB2_13-.Ltmp8, $4  }
0x1ec: {  	[hbm4b:s31+s3] =	stream.linear.scatter [tilespmem:s15], [sflag:$0x5], $0x1000, $0x38;
	[tilespmem:$0x13F80] =	vst v63  }
0x1ed: {  	_ =	swait.ge [sflag:s19], $0x1000  }
0x1ee: {  	[sflag:s19] =	ssyncset.done $0x0  }
0x1ef: {  	[sflag:s19] =	ssyncadd.s32 $0xFFFFF000  }
.LBB2_14:
0x1f0: {  	_ =	sfence.sel $0x180000  }
0x1f1: {  	[bflag:$0x0] =	sbarrier.arrive $0xFFFF  }
0x1f2: {  	_ =	strace $0x90000047  }
0x1f3: {  	s0 =	stileid.u32;
	[bflag:$0x2] =	sbarrier.arrive $0xFFFF  }
0x1f4: {  	p0 =	sne.s32 s0, $0x0;
	s0 =	rddreg [dreg:$0x3]  }
0x1f5: {  	s0 =	sadd.s32 @!p0 $0x100000, s0  }
0x1f6: {  	[sflag:s0] =	ssyncadd.tile.s32 @!p0 $0x1;
	_ =	shalt  }
.Lfunc_end2:
_tile_overlayer_lowered:
.L_overlay_start_2:
0x1f7: {  	(tag) =	ssettag $0x2  }
0x1f8: {  	s0 =	rddreg [dreg:$0x0];
	s2 =	stileid.u32  }
0x1f9: {  	s1 =	rddreg [dreg:$0x1];
	p0 =	sne.s32 s2, $0x0  }
0x1fa: {  	s3 =	rddreg [dreg:$0x2];
	[bflag:$0x3] =	sbarrier.arrive $0xFFFF;
	s2 =	simm.s32 @!p0 $0x1C05  }
0x1fb: {  	[timem:s3], [sflag:s2] =	dma.local @!p0 [hbm:s0], s1  }
0x1fc: {  	s0 =	simm.s32 @!p0 $0x5  }
0x1fd: {  	_ =	swait.ge @!p0 [sflag:s0], s1  }
0x1fe: {  	s1 =	ssub.s32 @!p0 $0x0, s1;
	[sflag:s0] =	ssyncset.done @!p0 $0x0  }
0x1ff: {  	[sflag:s0] =	ssyncadd.s32 @!p0 s1  }
0x200: {  	[bflag:$0x3] =	sbarrier.arrive $0xFFFF  }
0x201: {  	_ =	shalt  }

</sc_bundles>
